<compile_context>
chip_gen: v7x
topology: tpu7x:2x2x1
jax: 0.10.2.dev20260603
libtpu: 0.0.44.dev20260713+nightly
codegen_flags: <defaults>
</compile_context>

<pallas_src>
import functools
import math

import jax
import jax.numpy as jnp
from jax import lax
from jax.experimental import pallas as pl
from jax.experimental.pallas import tpu as pltpu
from jax.experimental.pallas import tpu_sc as plsc

D_MODEL = 64
SCALE = math.sqrt(D_MODEL)

NC = 2
NS = 16
NW = NC * NS
LANES = 16

B_TOTAL = 4096 * 200
BPW = B_TOTAL // NW
CHUNK = 200
NCHUNK = BPW // CHUNK
NB = 6
G = 4

_mesh = plsc.VectorSubcoreMesh(
    core_axis_name="c", subcore_axis_name="s", num_cores=NC, num_subcores=NS
)


@functools.partial(
    pl.kernel,
    out_type=jax.ShapeDtypeStruct((4096, CHUNK, D_MODEL), jnp.float32),
    mesh=_mesh,
    scratch_types=[
        pltpu.VMEM((NCHUNK, CHUNK), jnp.int32),
        pltpu.VMEM((NB, CHUNK, D_MODEL), jnp.float32),
        pltpu.SemaphoreType.DMA((NB,)),
        pltpu.SemaphoreType.DMA((NB,)),
    ],
    compiler_params=pltpu.CompilerParams(use_tc_tiling_on_sc=False),
)
def _emb_lookup(x_hbm, table_hbm, out_hbm, idx_v, rows_v, gsem, ssem):
    wid = lax.axis_index("s") * NC + lax.axis_index("c")
    base = wid * BPW
    pltpu.sync_copy(x_hbm.at[wid], idx_v)

    def gather(c, b):
        return pltpu.make_async_copy(
            table_hbm.at[idx_v.at[c]], rows_v.at[b], gsem.at[b]
        )

    tok0 = wid * NCHUNK

    def store(c, b):
        return pltpu.make_async_copy(
            rows_v.at[b], out_hbm.at[tok0 + c], ssem.at[b]
        )

    for c in range(G):
        gather(c, c % NB).start()

    def chunk_body(c, carry):
        b = c % NB
        cg = c + G
        bg = cg % NB

        @pl.when(cg < NCHUNK)
        def _launch():
            @pl.when(cg >= NB)
            def _drain():
                store(cg - NB, bg).wait()

            gather(cg, bg).start()

        gather(c, b).wait()

        @plsc.parallel_loop(0, CHUNK, unroll=8)
        def _scale(i):
            for j in range(D_MODEL // LANES):
                sl = pl.ds(j * LANES, LANES)
                rows_v[b, i, sl] = rows_v[b, i, sl] * SCALE
        store(c, b).start()
        return carry

    lax.fori_loop(0, NCHUNK, chunk_body, 0)

    for k in range(NB):
        c = NCHUNK - NB + k
        store(c, c % NB).wait()


def kernel(x, table):
    x_flat = x.reshape(NW, NCHUNK, CHUNK).astype(jnp.int32)
    return _emb_lookup(x_flat, table)

# --- scband reference (transcript-rebuilt; emitter-appended) ---
"""Pipeline reference for scband-embeddings-62268435857954 (READ-ONLY COPY).

The authoritative reference and input builder live on the scoring server;
editing this copy changes nothing except your own understanding.
"""

import jax, jax.numpy as jnp
import numpy as np
import math

VOCAB = 1000000
D_MODEL = 64

def setup_inputs(seed: int = 0) -> dict:
    key = jax.random.key(seed)
    k1, k2 = jax.random.split(key)
    x = jax.random.randint(k1, (4096, 200), 0, VOCAB, dtype=jnp.int64) if jax.config.jax_enable_x64 else jax.random.randint(k1, (4096, 200), 0, VOCAB, dtype=jnp.int32)
    table = jax.random.normal(k2, (VOCAB, D_MODEL), dtype=jnp.float32)
    return {"x": x, "table": table}

def reference(x, table):
    # Embedding lookup followed by scaling by sqrt(d_model)
    emb = jnp.take(table, x, axis=0)
    return emb * math.sqrt(D_MODEL)

if __name__ == "__main__":
    import jax
    _d = setup_inputs()
    print(jax.jit(kernel)(*tuple(_d.values())))

</pallas_src>

<mosaic_0001>
#map = affine_map<(d0, d1) -> (0, 0, 0)>
#map1 = affine_map<(d0, d1) -> (0, 0)>
module attributes {stable_mosaic.version = 14 : i64} {
  func.func @_emb_lookup(%arg0: i32, %arg1: i32, %arg2: memref<32x128x200xi32, #tpu.memory_space<hbm>>, %arg3: memref<1000000x64xf32, #tpu.memory_space<hbm>>, %arg4: memref<4096x200x64xf32, #tpu.memory_space<hbm>>, %arg5: memref<128x200xi32, #tpu.memory_space<vmem>>, %arg6: memref<6x200x64xf32, #tpu.memory_space<vmem>>, %arg7: memref<6x!tpu.dma_semaphore, #tpu.memory_space<semaphore_mem>>, %arg8: memref<6x!tpu.dma_semaphore, #tpu.memory_space<semaphore_mem>>) attributes {dimension_semantics = [#tpu.dimension_semantics<core_parallel>, #tpu.dimension_semantics<subcore_parallel>], iteration_bounds = array<i64: 2, 16>, scalar_prefetch = 0 : i64, scratch_operands = 4 : i64, tpu.core_type = #tpu.core_type<sc_vector_subcore>, window_params = [{transform_indices = #map}, {transform_indices = #map1}, {transform_indices = #map}]} {
    %mul3A = arith.constant 2 : i32
    %mul3A_0 = arith.muli %arg1, %mul3A : i32
    %add3A = arith.addi %mul3A_0, %arg0 : i32
    %mul3A_1 = arith.constant 25600 : i32
    %mul3A_2 = arith.muli %add3A, %mul3A_1 : i32
    "tpu.region"() ({
      %run_scoped3A = tpu.sem_alloc : memref<!tpu.dma_semaphore, #tpu.memory_space<semaphore_mem>>
      %dma_start3A_200 = arith.constant 0 : i32
      %dma_start3A_201 = arith.constant 0 : i32
      %dma_start3A_202 = tpu.memref_slice %arg2[%add3A, %dma_start3A_200, %dma_start3A_201] : memref<32x128x200xi32, #tpu.memory_space<hbm>> -> memref<1x128x200xi32, #tpu.memory_space<hbm>>
      %dma_start3A_203 = tpu.memref_squeeze %dma_start3A_202 : memref<1x128x200xi32, #tpu.memory_space<hbm>> -> memref<128x200xi32, #tpu.memory_space<hbm>>
      %dma_start3A_204 = arith.constant 0 : i32
      %dma_start3A_205 = arith.constant 0 : i32
      %dma_start3A_206 = tpu.memref_slice %arg2[%add3A, %dma_start3A_204, %dma_start3A_205] : memref<32x128x200xi32, #tpu.memory_space<hbm>> -> memref<1x128x200xi32, #tpu.memory_space<hbm>>
      %dma_start3A_207 = tpu.memref_squeeze %dma_start3A_206 : memref<1x128x200xi32, #tpu.memory_space<hbm>> -> memref<128x200xi32, #tpu.memory_space<hbm>>
      tpu.enqueue_dma source(%dma_start3A_207 : memref<128x200xi32, #tpu.memory_space<hbm>>) target(%arg5 : memref<128x200xi32, #tpu.memory_space<vmem>>) target_semaphore(%run_scoped3A : memref<!tpu.dma_semaphore, #tpu.memory_space<semaphore_mem>>)
      %dma_wait3A_208 = arith.constant 0 : i32
      %dma_wait3A_209 = arith.constant 0 : i32
      %dma_wait3A_210 = tpu.memref_slice %arg2[%add3A, %dma_wait3A_208, %dma_wait3A_209] : memref<32x128x200xi32, #tpu.memory_space<hbm>> -> memref<1x128x200xi32, #tpu.memory_space<hbm>>
      %dma_wait3A_211 = tpu.memref_squeeze %dma_wait3A_210 : memref<1x128x200xi32, #tpu.memory_space<hbm>> -> memref<128x200xi32, #tpu.memory_space<hbm>>
      %dma_wait3A_212 = arith.constant 0 : i32
      %dma_wait3A_213 = arith.constant 0 : i32
      %dma_wait3A_214 = tpu.memref_slice %arg2[%add3A, %dma_wait3A_212, %dma_wait3A_213] : memref<32x128x200xi32, #tpu.memory_space<hbm>> -> memref<1x128x200xi32, #tpu.memory_space<hbm>>
      %dma_wait3A_215 = tpu.memref_squeeze %dma_wait3A_214 : memref<1x128x200xi32, #tpu.memory_space<hbm>> -> memref<128x200xi32, #tpu.memory_space<hbm>>
      tpu.wait_dma2 semaphore(%run_scoped3A : memref<!tpu.dma_semaphore, #tpu.memory_space<semaphore_mem>>) src(%dma_wait3A_215 : memref<128x200xi32, #tpu.memory_space<hbm>>) dst(%arg5 : memref<128x200xi32, #tpu.memory_space<vmem>>)
      tpu.yield
    }) : () -> ()
    %mul3A_3 = arith.constant 128 : i32
    %mul3A_4 = arith.muli %add3A, %mul3A_3 : i32
    %dma_start3A = arith.constant 0 : i32
    %dma_start3A_5 = arith.constant 0 : i32
    %dma_start3A_6 = arith.constant 0 : i32
    %dma_start3A_7 = arith.constant 0 : i32
    %dma_start3A_8 = arith.constant 0 : i32
    %dma_start3A_9 = tpu.memref_slice %arg6[%dma_start3A_5, %dma_start3A_7, %dma_start3A_8] : memref<6x200x64xf32, #tpu.memory_space<vmem>> -> memref<1x200x64xf32, #tpu.memory_space<vmem>>
    %dma_start3A_10 = tpu.memref_squeeze %dma_start3A_9 : memref<1x200x64xf32, #tpu.memory_space<vmem>> -> memref<200x64xf32, #tpu.memory_space<vmem>>
    %dma_start3A_11 = arith.constant 0 : i32
    %dma_start3A_12 = tpu.memref_slice %arg5[%dma_start3A, %dma_start3A_11] : memref<128x200xi32, #tpu.memory_space<vmem>> -> memref<1x200xi32, #tpu.memory_space<vmem>>
    %dma_start3A_13 = tpu.memref_squeeze %dma_start3A_12 : memref<1x200xi32, #tpu.memory_space<vmem>> -> memref<200xi32, #tpu.memory_space<vmem>>
    %dma_start3A_14 = arith.constant 0 : i32
    %dma_start3A_15 = arith.constant 0 : i32
    %dma_start3A_16 = tpu.memref_slice %arg3[%dma_start3A_14, %dma_start3A_15] : memref<1000000x64xf32, #tpu.memory_space<hbm>> -> memref<1000000x64xf32, #tpu.memory_space<hbm>>
    %dma_start3A_17 = tpu.memref_slice %arg7[%dma_start3A_6] : memref<6x!tpu.dma_semaphore, #tpu.memory_space<semaphore_mem>> -> memref<1x!tpu.dma_semaphore, #tpu.memory_space<semaphore_mem>>
    %dma_start3A_18 = tpu.memref_squeeze %dma_start3A_17 : memref<1x!tpu.dma_semaphore, #tpu.memory_space<semaphore_mem>> -> memref<!tpu.dma_semaphore, #tpu.memory_space<semaphore_mem>>
    tpu.enqueue_indirect_dma source(%dma_start3A_16 : memref<1000000x64xf32, #tpu.memory_space<hbm>>) target(%dma_start3A_10 : memref<200x64xf32, #tpu.memory_space<vmem>>) offsets(%dma_start3A_13 : memref<200xi32, #tpu.memory_space<vmem>>) semaphore(%dma_start3A_18 : memref<!tpu.dma_semaphore, #tpu.memory_space<semaphore_mem>>)
    %dma_start3A_19 = arith.constant 1 : i32
    %dma_start3A_20 = arith.constant 1 : i32
    %dma_start3A_21 = arith.constant 1 : i32
    %dma_start3A_22 = arith.constant 0 : i32
    %dma_start3A_23 = arith.constant 0 : i32
    %dma_start3A_24 = tpu.memref_slice %arg6[%dma_start3A_20, %dma_start3A_22, %dma_start3A_23] : memref<6x200x64xf32, #tpu.memory_space<vmem>> -> memref<1x200x64xf32, #tpu.memory_space<vmem>>
    %dma_start3A_25 = tpu.memref_squeeze %dma_start3A_24 : memref<1x200x64xf32, #tpu.memory_space<vmem>> -> memref<200x64xf32, #tpu.memory_space<vmem>>
    %dma_start3A_26 = arith.constant 0 : i32
    %dma_start3A_27 = tpu.memref_slice %arg5[%dma_start3A_19, %dma_start3A_26] : memref<128x200xi32, #tpu.memory_space<vmem>> -> memref<1x200xi32, #tpu.memory_space<vmem>>
    %dma_start3A_28 = tpu.memref_squeeze %dma_start3A_27 : memref<1x200xi32, #tpu.memory_space<vmem>> -> memref<200xi32, #tpu.memory_space<vmem>>
    %dma_start3A_29 = arith.constant 0 : i32
    %dma_start3A_30 = arith.constant 0 : i32
    %dma_start3A_31 = tpu.memref_slice %arg3[%dma_start3A_29, %dma_start3A_30] : memref<1000000x64xf32, #tpu.memory_space<hbm>> -> memref<1000000x64xf32, #tpu.memory_space<hbm>>
    %dma_start3A_32 = tpu.memref_slice %arg7[%dma_start3A_21] : memref<6x!tpu.dma_semaphore, #tpu.memory_space<semaphore_mem>> -> memref<1x!tpu.dma_semaphore, #tpu.memory_space<semaphore_mem>>
    %dma_start3A_33 = tpu.memref_squeeze %dma_start3A_32 : memref<1x!tpu.dma_semaphore, #tpu.memory_space<semaphore_mem>> -> memref<!tpu.dma_semaphore, #tpu.memory_space<semaphore_mem>>
    tpu.enqueue_indirect_dma source(%dma_start3A_31 : memref<1000000x64xf32, #tpu.memory_space<hbm>>) target(%dma_start3A_25 : memref<200x64xf32, #tpu.memory_space<vmem>>) offsets(%dma_start3A_28 : memref<200xi32, #tpu.memory_space<vmem>>) semaphore(%dma_start3A_33 : memref<!tpu.dma_semaphore, #tpu.memory_space<semaphore_mem>>)
    %dma_start3A_34 = arith.constant 2 : i32
    %dma_start3A_35 = arith.constant 2 : i32
    %dma_start3A_36 = arith.constant 2 : i32
    %dma_start3A_37 = arith.constant 0 : i32
    %dma_start3A_38 = arith.constant 0 : i32
    %dma_start3A_39 = tpu.memref_slice %arg6[%dma_start3A_35, %dma_start3A_37, %dma_start3A_38] : memref<6x200x64xf32, #tpu.memory_space<vmem>> -> memref<1x200x64xf32, #tpu.memory_space<vmem>>
    %dma_start3A_40 = tpu.memref_squeeze %dma_start3A_39 : memref<1x200x64xf32, #tpu.memory_space<vmem>> -> memref<200x64xf32, #tpu.memory_space<vmem>>
    %dma_start3A_41 = arith.constant 0 : i32
    %dma_start3A_42 = tpu.memref_slice %arg5[%dma_start3A_34, %dma_start3A_41] : memref<128x200xi32, #tpu.memory_space<vmem>> -> memref<1x200xi32, #tpu.memory_space<vmem>>
    %dma_start3A_43 = tpu.memref_squeeze %dma_start3A_42 : memref<1x200xi32, #tpu.memory_space<vmem>> -> memref<200xi32, #tpu.memory_space<vmem>>
    %dma_start3A_44 = arith.constant 0 : i32
    %dma_start3A_45 = arith.constant 0 : i32
    %dma_start3A_46 = tpu.memref_slice %arg3[%dma_start3A_44, %dma_start3A_45] : memref<1000000x64xf32, #tpu.memory_space<hbm>> -> memref<1000000x64xf32, #tpu.memory_space<hbm>>
    %dma_start3A_47 = tpu.memref_slice %arg7[%dma_start3A_36] : memref<6x!tpu.dma_semaphore, #tpu.memory_space<semaphore_mem>> -> memref<1x!tpu.dma_semaphore, #tpu.memory_space<semaphore_mem>>
    %dma_start3A_48 = tpu.memref_squeeze %dma_start3A_47 : memref<1x!tpu.dma_semaphore, #tpu.memory_space<semaphore_mem>> -> memref<!tpu.dma_semaphore, #tpu.memory_space<semaphore_mem>>
    tpu.enqueue_indirect_dma source(%dma_start3A_46 : memref<1000000x64xf32, #tpu.memory_space<hbm>>) target(%dma_start3A_40 : memref<200x64xf32, #tpu.memory_space<vmem>>) offsets(%dma_start3A_43 : memref<200xi32, #tpu.memory_space<vmem>>) semaphore(%dma_start3A_48 : memref<!tpu.dma_semaphore, #tpu.memory_space<semaphore_mem>>)
    %dma_start3A_49 = arith.constant 3 : i32
    %dma_start3A_50 = arith.constant 3 : i32
    %dma_start3A_51 = arith.constant 3 : i32
    %dma_start3A_52 = arith.constant 0 : i32
    %dma_start3A_53 = arith.constant 0 : i32
    %dma_start3A_54 = tpu.memref_slice %arg6[%dma_start3A_50, %dma_start3A_52, %dma_start3A_53] : memref<6x200x64xf32, #tpu.memory_space<vmem>> -> memref<1x200x64xf32, #tpu.memory_space<vmem>>
    %dma_start3A_55 = tpu.memref_squeeze %dma_start3A_54 : memref<1x200x64xf32, #tpu.memory_space<vmem>> -> memref<200x64xf32, #tpu.memory_space<vmem>>
    %dma_start3A_56 = arith.constant 0 : i32
    %dma_start3A_57 = tpu.memref_slice %arg5[%dma_start3A_49, %dma_start3A_56] : memref<128x200xi32, #tpu.memory_space<vmem>> -> memref<1x200xi32, #tpu.memory_space<vmem>>
    %dma_start3A_58 = tpu.memref_squeeze %dma_start3A_57 : memref<1x200xi32, #tpu.memory_space<vmem>> -> memref<200xi32, #tpu.memory_space<vmem>>
    %dma_start3A_59 = arith.constant 0 : i32
    %dma_start3A_60 = arith.constant 0 : i32
    %dma_start3A_61 = tpu.memref_slice %arg3[%dma_start3A_59, %dma_start3A_60] : memref<1000000x64xf32, #tpu.memory_space<hbm>> -> memref<1000000x64xf32, #tpu.memory_space<hbm>>
    %dma_start3A_62 = tpu.memref_slice %arg7[%dma_start3A_51] : memref<6x!tpu.dma_semaphore, #tpu.memory_space<semaphore_mem>> -> memref<1x!tpu.dma_semaphore, #tpu.memory_space<semaphore_mem>>
    %dma_start3A_63 = tpu.memref_squeeze %dma_start3A_62 : memref<1x!tpu.dma_semaphore, #tpu.memory_space<semaphore_mem>> -> memref<!tpu.dma_semaphore, #tpu.memory_space<semaphore_mem>>
    tpu.enqueue_indirect_dma source(%dma_start3A_61 : memref<1000000x64xf32, #tpu.memory_space<hbm>>) target(%dma_start3A_55 : memref<200x64xf32, #tpu.memory_space<vmem>>) offsets(%dma_start3A_58 : memref<200xi32, #tpu.memory_space<vmem>>) semaphore(%dma_start3A_63 : memref<!tpu.dma_semaphore, #tpu.memory_space<semaphore_mem>>)
    %scan3A = arith.constant 0 : i32
    %scan3A_64 = arith.constant 0 : i32
    %scan3A_65 = arith.constant 128 : i32
    %scan3A_66 = arith.addi %scan3A_64, %scan3A_65 : i32
    %scan3A_67 = arith.constant 1 : i32
    scf.for %scan3A_200 = %scan3A_64 to %scan3A_66 step %scan3A_67  : i32 {
      %jit3A = arith.constant 6 : i32
      %eq3A = arith.constant 0 : i32
      %eq3A_201 = arith.cmpi eq, %jit3A, %eq3A : i32
      %jit3A_202 = arith.constant 1 : i32
      %select_n3A = arith.select %eq3A_201, %jit3A_202, %jit3A : i32
      %rem3A = arith.remsi %scan3A_200, %select_n3A : i32
      %ne3A = arith.constant 0 : i32
      %ne3A_203 = arith.cmpi ne, %rem3A, %ne3A : i32
      %lt3A = arith.constant 0 : i32
      %lt3A_204 = arith.cmpi slt, %rem3A, %lt3A : i32
      %lt3A_205 = arith.constant 0 : i32
      %lt3A_206 = arith.cmpi slt, %select_n3A, %lt3A_205 : i32
      %ne3A_207 = arith.xori %lt3A_204, %lt3A_206 : i1
      %and3A = arith.andi %ne3A_207, %ne3A_203 : i1
      %add3A_208 = arith.addi %rem3A, %select_n3A : i32
      %select_n3A_209 = arith.select %and3A, %add3A_208, %rem3A : i32
      %add3A_210 = arith.constant 4 : i32
      %add3A_211 = arith.addi %scan3A_200, %add3A_210 : i32
      %jit3A_212 = arith.constant 6 : i32
      %eq3A_213 = arith.constant 0 : i32
      %eq3A_214 = arith.cmpi eq, %jit3A_212, %eq3A_213 : i32
      %jit3A_215 = arith.constant 1 : i32
      %select_n3A_216 = arith.select %eq3A_214, %jit3A_215, %jit3A_212 : i32
      %rem3A_217 = arith.remsi %add3A_211, %select_n3A_216 : i32
      %ne3A_218 = arith.constant 0 : i32
      %ne3A_219 = arith.cmpi ne, %rem3A_217, %ne3A_218 : i32
      %lt3A_220 = arith.constant 0 : i32
      %lt3A_221 = arith.cmpi slt, %rem3A_217, %lt3A_220 : i32
      %lt3A_222 = arith.constant 0 : i32
      %lt3A_223 = arith.cmpi slt, %select_n3A_216, %lt3A_222 : i32
      %ne3A_224 = arith.xori %lt3A_221, %lt3A_223 : i1
      %and3A_225 = arith.andi %ne3A_224, %ne3A_219 : i1
      %add3A_226 = arith.addi %rem3A_217, %select_n3A_216 : i32
      %select_n3A_227 = arith.select %and3A_225, %add3A_226, %rem3A_217 : i32
      %lt3A_228 = arith.constant 128 : i32
      %lt3A_229 = arith.cmpi slt, %add3A_211, %lt3A_228 : i32
      %convert_element_type3A = arith.extui %lt3A_229 : i1 to i32
      %cond3A = arith.constant 0 : i32
      %cond3A_230 = arith.cmpi ne, %convert_element_type3A, %cond3A : i32
      scf.if %cond3A_230 {
        %ge3A = arith.constant 6 : i32
        %ge3A_264 = arith.cmpi sge, %add3A_211, %ge3A : i32
        %convert_element_type3A_265 = arith.extui %ge3A_264 : i1 to i32
        %cond3A_266 = arith.constant 0 : i32
        %cond3A_267 = arith.cmpi ne, %convert_element_type3A_265, %cond3A_266 : i32
        scf.if %cond3A_267 {
          %sub3A = arith.constant 6 : i32
          %sub3A_280 = arith.subi %add3A_211, %sub3A : i32
          %add3A_281 = arith.addi %mul3A_4, %sub3A_280 : i32
          %dma_wait3A_282 = arith.constant 0 : i32
          %dma_wait3A_283 = arith.constant 0 : i32
          %dma_wait3A_284 = tpu.memref_slice %arg6[%select_n3A_227, %dma_wait3A_282, %dma_wait3A_283] : memref<6x200x64xf32, #tpu.memory_space<vmem>> -> memref<1x200x64xf32, #tpu.memory_space<vmem>>
          %dma_wait3A_285 = tpu.memref_squeeze %dma_wait3A_284 : memref<1x200x64xf32, #tpu.memory_space<vmem>> -> memref<200x64xf32, #tpu.memory_space<vmem>>
          %dma_wait3A_286 = arith.constant 0 : i32
          %dma_wait3A_287 = arith.constant 0 : i32
          %dma_wait3A_288 = tpu.memref_slice %arg4[%add3A_281, %dma_wait3A_286, %dma_wait3A_287] : memref<4096x200x64xf32, #tpu.memory_space<hbm>> -> memref<1x200x64xf32, #tpu.memory_space<hbm>>
          %dma_wait3A_289 = tpu.memref_squeeze %dma_wait3A_288 : memref<1x200x64xf32, #tpu.memory_space<hbm>> -> memref<200x64xf32, #tpu.memory_space<hbm>>
          %dma_wait3A_290 = tpu.memref_slice %arg8[%select_n3A_227] : memref<6x!tpu.dma_semaphore, #tpu.memory_space<semaphore_mem>> -> memref<1x!tpu.dma_semaphore, #tpu.memory_space<semaphore_mem>>
          %dma_wait3A_291 = tpu.memref_squeeze %dma_wait3A_290 : memref<1x!tpu.dma_semaphore, #tpu.memory_space<semaphore_mem>> -> memref<!tpu.dma_semaphore, #tpu.memory_space<semaphore_mem>>
          %dma_wait3A_292 = arith.constant 0 : i32
          %dma_wait3A_293 = arith.constant 0 : i32
          %dma_wait3A_294 = tpu.memref_slice %arg4[%add3A_281, %dma_wait3A_292, %dma_wait3A_293] : memref<4096x200x64xf32, #tpu.memory_space<hbm>> -> memref<1x200x64xf32, #tpu.memory_space<hbm>>
          %dma_wait3A_295 = tpu.memref_squeeze %dma_wait3A_294 : memref<1x200x64xf32, #tpu.memory_space<hbm>> -> memref<200x64xf32, #tpu.memory_space<hbm>>
          %dma_wait3A_296 = arith.constant 0 : i32
          %dma_wait3A_297 = arith.constant 0 : i32
          %dma_wait3A_298 = tpu.memref_slice %arg6[%select_n3A_227, %dma_wait3A_296, %dma_wait3A_297] : memref<6x200x64xf32, #tpu.memory_space<vmem>> -> memref<1x200x64xf32, #tpu.memory_space<vmem>>
          %dma_wait3A_299 = tpu.memref_squeeze %dma_wait3A_298 : memref<1x200x64xf32, #tpu.memory_space<vmem>> -> memref<200x64xf32, #tpu.memory_space<vmem>>
          tpu.wait_dma2 semaphore(%dma_wait3A_291 : memref<!tpu.dma_semaphore, #tpu.memory_space<semaphore_mem>>) src(%dma_wait3A_299 : memref<200x64xf32, #tpu.memory_space<vmem>>) dst(%dma_wait3A_295 : memref<200x64xf32, #tpu.memory_space<hbm>>)
        } else {
        }
        %dma_start3A_268 = arith.constant 0 : i32
        %dma_start3A_269 = arith.constant 0 : i32
        %dma_start3A_270 = tpu.memref_slice %arg6[%select_n3A_227, %dma_start3A_268, %dma_start3A_269] : memref<6x200x64xf32, #tpu.memory_space<vmem>> -> memref<1x200x64xf32, #tpu.memory_space<vmem>>
        %dma_start3A_271 = tpu.memref_squeeze %dma_start3A_270 : memref<1x200x64xf32, #tpu.memory_space<vmem>> -> memref<200x64xf32, #tpu.memory_space<vmem>>
        %dma_start3A_272 = arith.constant 0 : i32
        %dma_start3A_273 = tpu.memref_slice %arg5[%add3A_211, %dma_start3A_272] : memref<128x200xi32, #tpu.memory_space<vmem>> -> memref<1x200xi32, #tpu.memory_space<vmem>>
        %dma_start3A_274 = tpu.memref_squeeze %dma_start3A_273 : memref<1x200xi32, #tpu.memory_space<vmem>> -> memref<200xi32, #tpu.memory_space<vmem>>
        %dma_start3A_275 = arith.constant 0 : i32
        %dma_start3A_276 = arith.constant 0 : i32
        %dma_start3A_277 = tpu.memref_slice %arg3[%dma_start3A_275, %dma_start3A_276] : memref<1000000x64xf32, #tpu.memory_space<hbm>> -> memref<1000000x64xf32, #tpu.memory_space<hbm>>
        %dma_start3A_278 = tpu.memref_slice %arg7[%select_n3A_227] : memref<6x!tpu.dma_semaphore, #tpu.memory_space<semaphore_mem>> -> memref<1x!tpu.dma_semaphore, #tpu.memory_space<semaphore_mem>>
        %dma_start3A_279 = tpu.memref_squeeze %dma_start3A_278 : memref<1x!tpu.dma_semaphore, #tpu.memory_space<semaphore_mem>> -> memref<!tpu.dma_semaphore, #tpu.memory_space<semaphore_mem>>
        tpu.enqueue_indirect_dma source(%dma_start3A_277 : memref<1000000x64xf32, #tpu.memory_space<hbm>>) target(%dma_start3A_271 : memref<200x64xf32, #tpu.memory_space<vmem>>) offsets(%dma_start3A_274 : memref<200xi32, #tpu.memory_space<vmem>>) semaphore(%dma_start3A_279 : memref<!tpu.dma_semaphore, #tpu.memory_space<semaphore_mem>>)
      } else {
      }
      %dma_wait3A_231 = arith.constant 0 : i32
      %dma_wait3A_232 = arith.constant 0 : i32
      %dma_wait3A_233 = tpu.memref_slice %arg6[%select_n3A_209, %dma_wait3A_231, %dma_wait3A_232] : memref<6x200x64xf32, #tpu.memory_space<vmem>> -> memref<1x200x64xf32, #tpu.memory_space<vmem>>
      %dma_wait3A_234 = tpu.memref_squeeze %dma_wait3A_233 : memref<1x200x64xf32, #tpu.memory_space<vmem>> -> memref<200x64xf32, #tpu.memory_space<vmem>>
      %dma_wait3A_235 = arith.constant 0 : i32
      %dma_wait3A_236 = tpu.memref_slice %arg5[%scan3A_200, %dma_wait3A_235] : memref<128x200xi32, #tpu.memory_space<vmem>> -> memref<1x200xi32, #tpu.memory_space<vmem>>
      %dma_wait3A_237 = tpu.memref_squeeze %dma_wait3A_236 : memref<1x200xi32, #tpu.memory_space<vmem>> -> memref<200xi32, #tpu.memory_space<vmem>>
      %dma_wait3A_238 = arith.constant 0 : i32
      %dma_wait3A_239 = arith.constant 0 : i32
      %dma_wait3A_240 = tpu.memref_slice %arg3[%dma_wait3A_238, %dma_wait3A_239] : memref<1000000x64xf32, #tpu.memory_space<hbm>> -> memref<1000000x64xf32, #tpu.memory_space<hbm>>
      %dma_wait3A_241 = tpu.memref_slice %arg7[%select_n3A_209] : memref<6x!tpu.dma_semaphore, #tpu.memory_space<semaphore_mem>> -> memref<1x!tpu.dma_semaphore, #tpu.memory_space<semaphore_mem>>
      %dma_wait3A_242 = tpu.memref_squeeze %dma_wait3A_241 : memref<1x!tpu.dma_semaphore, #tpu.memory_space<semaphore_mem>> -> memref<!tpu.dma_semaphore, #tpu.memory_space<semaphore_mem>>
      tpu.wait_indirect_dma semaphore(%dma_wait3A_242 : memref<!tpu.dma_semaphore, #tpu.memory_space<semaphore_mem>>) src(%dma_wait3A_240 : memref<1000000x64xf32, #tpu.memory_space<hbm>>) dst(%dma_wait3A_234 : memref<200x64xf32, #tpu.memory_space<vmem>>)
      %parallel_loop3A = arith.constant 0 : i32
      %parallel_loop3A_243 = arith.constant 200 : i32
      %parallel_loop3A_244 = arith.constant 1 : i32
      scf.for %parallel_loop3A_264 = %parallel_loop3A to %parallel_loop3A_243 step %parallel_loop3A_244  : i32 {
        %parallel_loop3A_265 = arith.index_cast %select_n3A_209 : i32 to index
        %parallel_loop3A_266 = arith.index_cast %parallel_loop3A_264 : i32 to index
        %parallel_loop3A_267 = arith.constant 0 : index
        %parallel_loop3A_268 = tpu.vector_load %arg6[%parallel_loop3A_265, %parallel_loop3A_266, %parallel_loop3A_267] {strides = array<i32>} : memref<6x200x64xf32, #tpu.memory_space<vmem>>, vector<1x1x16xf32>,
        %parallel_loop3A_269 = vector.shape_cast %parallel_loop3A_268 : vector<1x1x16xf32> to vector<16xf32>
        %parallel_loop3A_270 = arith.constant 8.000000e+00 : f32
        %parallel_loop3A_271 = vector.broadcast %parallel_loop3A_270 : f32 to vector<16xf32>
        %parallel_loop3A_272 = arith.mulf %parallel_loop3A_269, %parallel_loop3A_271 : vector<16xf32>
        %parallel_loop3A_273 = arith.index_cast %select_n3A_209 : i32 to index
        %parallel_loop3A_274 = arith.index_cast %parallel_loop3A_264 : i32 to index
        %parallel_loop3A_275 = arith.constant 0 : index
        %parallel_loop3A_276 = tpu.vector_load %arg6[%parallel_loop3A_273, %parallel_loop3A_274, %parallel_loop3A_275] {strides = array<i32>} : memref<6x200x64xf32, #tpu.memory_space<vmem>>, vector<1x1x16xf32>,
        %parallel_loop3A_277 = vector.shape_cast %parallel_loop3A_276 : vector<1x1x16xf32> to vector<16xf32>
        %parallel_loop3A_278 = vector.shape_cast %parallel_loop3A_272 : vector<16xf32> to vector<1x1x16xf32>
        tpu.vector_store %arg6[%parallel_loop3A_273, %parallel_loop3A_274, %parallel_loop3A_275], %parallel_loop3A_278 {strides = array<i32>} : memref<6x200x64xf32, #tpu.memory_space<vmem>>, vector<1x1x16xf32>,
        %parallel_loop3A_279 = arith.index_cast %select_n3A_209 : i32 to index
        %parallel_loop3A_280 = arith.index_cast %parallel_loop3A_264 : i32 to index
        %parallel_loop3A_281 = arith.constant 16 : index
        %parallel_loop3A_282 = tpu.vector_load %arg6[%parallel_loop3A_279, %parallel_loop3A_280, %parallel_loop3A_281] {strides = array<i32>} : memref<6x200x64xf32, #tpu.memory_space<vmem>>, vector<1x1x16xf32>,
        %parallel_loop3A_283 = vector.shape_cast %parallel_loop3A_282 : vector<1x1x16xf32> to vector<16xf32>
        %parallel_loop3A_284 = arith.constant 8.000000e+00 : f32
        %parallel_loop3A_285 = vector.broadcast %parallel_loop3A_284 : f32 to vector<16xf32>
        %parallel_loop3A_286 = arith.mulf %parallel_loop3A_283, %parallel_loop3A_285 : vector<16xf32>
        %parallel_loop3A_287 = arith.index_cast %select_n3A_209 : i32 to index
        %parallel_loop3A_288 = arith.index_cast %parallel_loop3A_264 : i32 to index
        %parallel_loop3A_289 = arith.constant 16 : index
        %parallel_loop3A_290 = tpu.vector_load %arg6[%parallel_loop3A_287, %parallel_loop3A_288, %parallel_loop3A_289] {strides = array<i32>} : memref<6x200x64xf32, #tpu.memory_space<vmem>>, vector<1x1x16xf32>,
        %parallel_loop3A_291 = vector.shape_cast %parallel_loop3A_290 : vector<1x1x16xf32> to vector<16xf32>
        %parallel_loop3A_292 = vector.shape_cast %parallel_loop3A_286 : vector<16xf32> to vector<1x1x16xf32>
        tpu.vector_store %arg6[%parallel_loop3A_287, %parallel_loop3A_288, %parallel_loop3A_289], %parallel_loop3A_292 {strides = array<i32>} : memref<6x200x64xf32, #tpu.memory_space<vmem>>, vector<1x1x16xf32>,
        %parallel_loop3A_293 = arith.index_cast %select_n3A_209 : i32 to index
        %parallel_loop3A_294 = arith.index_cast %parallel_loop3A_264 : i32 to index
        %parallel_loop3A_295 = arith.constant 32 : index
        %parallel_loop3A_296 = tpu.vector_load %arg6[%parallel_loop3A_293, %parallel_loop3A_294, %parallel_loop3A_295] {strides = array<i32>} : memref<6x200x64xf32, #tpu.memory_space<vmem>>, vector<1x1x16xf32>,
        %parallel_loop3A_297 = vector.shape_cast %parallel_loop3A_296 : vector<1x1x16xf32> to vector<16xf32>
        %parallel_loop3A_298 = arith.constant 8.000000e+00 : f32
        %parallel_loop3A_299 = vector.broadcast %parallel_loop3A_298 : f32 to vector<16xf32>
        %parallel_loop3A_300 = arith.mulf %parallel_loop3A_297, %parallel_loop3A_299 : vector<16xf32>
        %parallel_loop3A_301 = arith.index_cast %select_n3A_209 : i32 to index
        %parallel_loop3A_302 = arith.index_cast %parallel_loop3A_264 : i32 to index
        %parallel_loop3A_303 = arith.constant 32 : index
        %parallel_loop3A_304 = tpu.vector_load %arg6[%parallel_loop3A_301, %parallel_loop3A_302, %parallel_loop3A_303] {strides = array<i32>} : memref<6x200x64xf32, #tpu.memory_space<vmem>>, vector<1x1x16xf32>,
        %parallel_loop3A_305 = vector.shape_cast %parallel_loop3A_304 : vector<1x1x16xf32> to vector<16xf32>
        %parallel_loop3A_306 = vector.shape_cast %parallel_loop3A_300 : vector<16xf32> to vector<1x1x16xf32>
        tpu.vector_store %arg6[%parallel_loop3A_301, %parallel_loop3A_302, %parallel_loop3A_303], %parallel_loop3A_306 {strides = array<i32>} : memref<6x200x64xf32, #tpu.memory_space<vmem>>, vector<1x1x16xf32>,
        %parallel_loop3A_307 = arith.index_cast %select_n3A_209 : i32 to index
        %parallel_loop3A_308 = arith.index_cast %parallel_loop3A_264 : i32 to index
        %parallel_loop3A_309 = arith.constant 48 : index
        %parallel_loop3A_310 = tpu.vector_load %arg6[%parallel_loop3A_307, %parallel_loop3A_308, %parallel_loop3A_309] {strides = array<i32>} : memref<6x200x64xf32, #tpu.memory_space<vmem>>, vector<1x1x16xf32>,
        %parallel_loop3A_311 = vector.shape_cast %parallel_loop3A_310 : vector<1x1x16xf32> to vector<16xf32>
        %parallel_loop3A_312 = arith.constant 8.000000e+00 : f32
        %parallel_loop3A_313 = vector.broadcast %parallel_loop3A_312 : f32 to vector<16xf32>
        %parallel_loop3A_314 = arith.mulf %parallel_loop3A_311, %parallel_loop3A_313 : vector<16xf32>
        %parallel_loop3A_315 = arith.index_cast %select_n3A_209 : i32 to index
        %parallel_loop3A_316 = arith.index_cast %parallel_loop3A_264 : i32 to index
        %parallel_loop3A_317 = arith.constant 48 : index
        %parallel_loop3A_318 = tpu.vector_load %arg6[%parallel_loop3A_315, %parallel_loop3A_316, %parallel_loop3A_317] {strides = array<i32>} : memref<6x200x64xf32, #tpu.memory_space<vmem>>, vector<1x1x16xf32>,
        %parallel_loop3A_319 = vector.shape_cast %parallel_loop3A_318 : vector<1x1x16xf32> to vector<16xf32>
        %parallel_loop3A_320 = vector.shape_cast %parallel_loop3A_314 : vector<16xf32> to vector<1x1x16xf32>
        tpu.vector_store %arg6[%parallel_loop3A_315, %parallel_loop3A_316, %parallel_loop3A_317], %parallel_loop3A_320 {strides = array<i32>} : memref<6x200x64xf32, #tpu.memory_space<vmem>>, vector<1x1x16xf32>,
      } {sc.loop_unroll_factor = 8 : i64, sc.parallel_access}
      %add3A_245 = arith.addi %mul3A_4, %scan3A_200 : i32
      %dma_start3A_246 = arith.constant 0 : i32
      %dma_start3A_247 = arith.constant 0 : i32
      %dma_start3A_248 = tpu.memref_slice %arg6[%select_n3A_209, %dma_start3A_246, %dma_start3A_247] : memref<6x200x64xf32, #tpu.memory_space<vmem>> -> memref<1x200x64xf32, #tpu.memory_space<vmem>>
      %dma_start3A_249 = tpu.memref_squeeze %dma_start3A_248 : memref<1x200x64xf32, #tpu.memory_space<vmem>> -> memref<200x64xf32, #tpu.memory_space<vmem>>
      %dma_start3A_250 = arith.constant 0 : i32
      %dma_start3A_251 = arith.constant 0 : i32
      %dma_start3A_252 = tpu.memref_slice %arg4[%add3A_245, %dma_start3A_250, %dma_start3A_251] : memref<4096x200x64xf32, #tpu.memory_space<hbm>> -> memref<1x200x64xf32, #tpu.memory_space<hbm>>
      %dma_start3A_253 = tpu.memref_squeeze %dma_start3A_252 : memref<1x200x64xf32, #tpu.memory_space<hbm>> -> memref<200x64xf32, #tpu.memory_space<hbm>>
      %dma_start3A_254 = tpu.memref_slice %arg8[%select_n3A_209] : memref<6x!tpu.dma_semaphore, #tpu.memory_space<semaphore_mem>> -> memref<1x!tpu.dma_semaphore, #tpu.memory_space<semaphore_mem>>
      %dma_start3A_255 = tpu.memref_squeeze %dma_start3A_254 : memref<1x!tpu.dma_semaphore, #tpu.memory_space<semaphore_mem>> -> memref<!tpu.dma_semaphore, #tpu.memory_space<semaphore_mem>>
      %dma_start3A_256 = arith.constant 0 : i32
      %dma_start3A_257 = arith.constant 0 : i32
      %dma_start3A_258 = tpu.memref_slice %arg4[%add3A_245, %dma_start3A_256, %dma_start3A_257] : memref<4096x200x64xf32, #tpu.memory_space<hbm>> -> memref<1x200x64xf32, #tpu.memory_space<hbm>>
      %dma_start3A_259 = tpu.memref_squeeze %dma_start3A_258 : memref<1x200x64xf32, #tpu.memory_space<hbm>> -> memref<200x64xf32, #tpu.memory_space<hbm>>
      %dma_start3A_260 = arith.constant 0 : i32
      %dma_start3A_261 = arith.constant 0 : i32
      %dma_start3A_262 = tpu.memref_slice %arg6[%select_n3A_209, %dma_start3A_260, %dma_start3A_261] : memref<6x200x64xf32, #tpu.memory_space<vmem>> -> memref<1x200x64xf32, #tpu.memory_space<vmem>>
      %dma_start3A_263 = tpu.memref_squeeze %dma_start3A_262 : memref<1x200x64xf32, #tpu.memory_space<vmem>> -> memref<200x64xf32, #tpu.memory_space<vmem>>
      tpu.enqueue_dma source(%dma_start3A_263 : memref<200x64xf32, #tpu.memory_space<vmem>>) target(%dma_start3A_259 : memref<200x64xf32, #tpu.memory_space<hbm>>) target_semaphore(%dma_start3A_255 : memref<!tpu.dma_semaphore, #tpu.memory_space<semaphore_mem>>)
    }
    %scan3A_68 = arith.constant 128 : i32
    %add3A_69 = arith.constant 122 : i32
    %add3A_70 = arith.addi %mul3A_4, %add3A_69 : i32
    %dma_wait3A = arith.constant 2 : i32
    %dma_wait3A_71 = arith.constant 2 : i32
    %dma_wait3A_72 = arith.constant 0 : i32
    %dma_wait3A_73 = arith.constant 0 : i32
    %dma_wait3A_74 = tpu.memref_slice %arg6[%dma_wait3A, %dma_wait3A_72, %dma_wait3A_73] : memref<6x200x64xf32, #tpu.memory_space<vmem>> -> memref<1x200x64xf32, #tpu.memory_space<vmem>>
    %dma_wait3A_75 = tpu.memref_squeeze %dma_wait3A_74 : memref<1x200x64xf32, #tpu.memory_space<vmem>> -> memref<200x64xf32, #tpu.memory_space<vmem>>
    %dma_wait3A_76 = arith.constant 0 : i32
    %dma_wait3A_77 = arith.constant 0 : i32
    %dma_wait3A_78 = tpu.memref_slice %arg4[%add3A_70, %dma_wait3A_76, %dma_wait3A_77] : memref<4096x200x64xf32, #tpu.memory_space<hbm>> -> memref<1x200x64xf32, #tpu.memory_space<hbm>>
    %dma_wait3A_79 = tpu.memref_squeeze %dma_wait3A_78 : memref<1x200x64xf32, #tpu.memory_space<hbm>> -> memref<200x64xf32, #tpu.memory_space<hbm>>
    %dma_wait3A_80 = tpu.memref_slice %arg8[%dma_wait3A_71] : memref<6x!tpu.dma_semaphore, #tpu.memory_space<semaphore_mem>> -> memref<1x!tpu.dma_semaphore, #tpu.memory_space<semaphore_mem>>
    %dma_wait3A_81 = tpu.memref_squeeze %dma_wait3A_80 : memref<1x!tpu.dma_semaphore, #tpu.memory_space<semaphore_mem>> -> memref<!tpu.dma_semaphore, #tpu.memory_space<semaphore_mem>>
    %dma_wait3A_82 = arith.constant 0 : i32
    %dma_wait3A_83 = arith.constant 0 : i32
    %dma_wait3A_84 = tpu.memref_slice %arg4[%add3A_70, %dma_wait3A_82, %dma_wait3A_83] : memref<4096x200x64xf32, #tpu.memory_space<hbm>> -> memref<1x200x64xf32, #tpu.memory_space<hbm>>
    %dma_wait3A_85 = tpu.memref_squeeze %dma_wait3A_84 : memref<1x200x64xf32, #tpu.memory_space<hbm>> -> memref<200x64xf32, #tpu.memory_space<hbm>>
    %dma_wait3A_86 = arith.constant 0 : i32
    %dma_wait3A_87 = arith.constant 0 : i32
    %dma_wait3A_88 = tpu.memref_slice %arg6[%dma_wait3A, %dma_wait3A_86, %dma_wait3A_87] : memref<6x200x64xf32, #tpu.memory_space<vmem>> -> memref<1x200x64xf32, #tpu.memory_space<vmem>>
    %dma_wait3A_89 = tpu.memref_squeeze %dma_wait3A_88 : memref<1x200x64xf32, #tpu.memory_space<vmem>> -> memref<200x64xf32, #tpu.memory_space<vmem>>
    tpu.wait_dma2 semaphore(%dma_wait3A_81 : memref<!tpu.dma_semaphore, #tpu.memory_space<semaphore_mem>>) src(%dma_wait3A_89 : memref<200x64xf32, #tpu.memory_space<vmem>>) dst(%dma_wait3A_85 : memref<200x64xf32, #tpu.memory_space<hbm>>)
    %add3A_90 = arith.constant 123 : i32
    %add3A_91 = arith.addi %mul3A_4, %add3A_90 : i32
    %dma_wait3A_92 = arith.constant 3 : i32
    %dma_wait3A_93 = arith.constant 3 : i32
    %dma_wait3A_94 = arith.constant 0 : i32
    %dma_wait3A_95 = arith.constant 0 : i32
    %dma_wait3A_96 = tpu.memref_slice %arg6[%dma_wait3A_92, %dma_wait3A_94, %dma_wait3A_95] : memref<6x200x64xf32, #tpu.memory_space<vmem>> -> memref<1x200x64xf32, #tpu.memory_space<vmem>>
    %dma_wait3A_97 = tpu.memref_squeeze %dma_wait3A_96 : memref<1x200x64xf32, #tpu.memory_space<vmem>> -> memref<200x64xf32, #tpu.memory_space<vmem>>
    %dma_wait3A_98 = arith.constant 0 : i32
    %dma_wait3A_99 = arith.constant 0 : i32
    %dma_wait3A_100 = tpu.memref_slice %arg4[%add3A_91, %dma_wait3A_98, %dma_wait3A_99] : memref<4096x200x64xf32, #tpu.memory_space<hbm>> -> memref<1x200x64xf32, #tpu.memory_space<hbm>>
    %dma_wait3A_101 = tpu.memref_squeeze %dma_wait3A_100 : memref<1x200x64xf32, #tpu.memory_space<hbm>> -> memref<200x64xf32, #tpu.memory_space<hbm>>
    %dma_wait3A_102 = tpu.memref_slice %arg8[%dma_wait3A_93] : memref<6x!tpu.dma_semaphore, #tpu.memory_space<semaphore_mem>> -> memref<1x!tpu.dma_semaphore, #tpu.memory_space<semaphore_mem>>
    %dma_wait3A_103 = tpu.memref_squeeze %dma_wait3A_102 : memref<1x!tpu.dma_semaphore, #tpu.memory_space<semaphore_mem>> -> memref<!tpu.dma_semaphore, #tpu.memory_space<semaphore_mem>>
    %dma_wait3A_104 = arith.constant 0 : i32
    %dma_wait3A_105 = arith.constant 0 : i32
    %dma_wait3A_106 = tpu.memref_slice %arg4[%add3A_91, %dma_wait3A_104, %dma_wait3A_105] : memref<4096x200x64xf32, #tpu.memory_space<hbm>> -> memref<1x200x64xf32, #tpu.memory_space<hbm>>
    %dma_wait3A_107 = tpu.memref_squeeze %dma_wait3A_106 : memref<1x200x64xf32, #tpu.memory_space<hbm>> -> memref<200x64xf32, #tpu.memory_space<hbm>>
    %dma_wait3A_108 = arith.constant 0 : i32
    %dma_wait3A_109 = arith.constant 0 : i32
    %dma_wait3A_110 = tpu.memref_slice %arg6[%dma_wait3A_92, %dma_wait3A_108, %dma_wait3A_109] : memref<6x200x64xf32, #tpu.memory_space<vmem>> -> memref<1x200x64xf32, #tpu.memory_space<vmem>>
    %dma_wait3A_111 = tpu.memref_squeeze %dma_wait3A_110 : memref<1x200x64xf32, #tpu.memory_space<vmem>> -> memref<200x64xf32, #tpu.memory_space<vmem>>
    tpu.wait_dma2 semaphore(%dma_wait3A_103 : memref<!tpu.dma_semaphore, #tpu.memory_space<semaphore_mem>>) src(%dma_wait3A_111 : memref<200x64xf32, #tpu.memory_space<vmem>>) dst(%dma_wait3A_107 : memref<200x64xf32, #tpu.memory_space<hbm>>)
    %add3A_112 = arith.constant 124 : i32
    %add3A_113 = arith.addi %mul3A_4, %add3A_112 : i32
    %dma_wait3A_114 = arith.constant 4 : i32
    %dma_wait3A_115 = arith.constant 4 : i32
    %dma_wait3A_116 = arith.constant 0 : i32
    %dma_wait3A_117 = arith.constant 0 : i32
    %dma_wait3A_118 = tpu.memref_slice %arg6[%dma_wait3A_114, %dma_wait3A_116, %dma_wait3A_117] : memref<6x200x64xf32, #tpu.memory_space<vmem>> -> memref<1x200x64xf32, #tpu.memory_space<vmem>>
    %dma_wait3A_119 = tpu.memref_squeeze %dma_wait3A_118 : memref<1x200x64xf32, #tpu.memory_space<vmem>> -> memref<200x64xf32, #tpu.memory_space<vmem>>
    %dma_wait3A_120 = arith.constant 0 : i32
    %dma_wait3A_121 = arith.constant 0 : i32
    %dma_wait3A_122 = tpu.memref_slice %arg4[%add3A_113, %dma_wait3A_120, %dma_wait3A_121] : memref<4096x200x64xf32, #tpu.memory_space<hbm>> -> memref<1x200x64xf32, #tpu.memory_space<hbm>>
    %dma_wait3A_123 = tpu.memref_squeeze %dma_wait3A_122 : memref<1x200x64xf32, #tpu.memory_space<hbm>> -> memref<200x64xf32, #tpu.memory_space<hbm>>
    %dma_wait3A_124 = tpu.memref_slice %arg8[%dma_wait3A_115] : memref<6x!tpu.dma_semaphore, #tpu.memory_space<semaphore_mem>> -> memref<1x!tpu.dma_semaphore, #tpu.memory_space<semaphore_mem>>
    %dma_wait3A_125 = tpu.memref_squeeze %dma_wait3A_124 : memref<1x!tpu.dma_semaphore, #tpu.memory_space<semaphore_mem>> -> memref<!tpu.dma_semaphore, #tpu.memory_space<semaphore_mem>>
    %dma_wait3A_126 = arith.constant 0 : i32
    %dma_wait3A_127 = arith.constant 0 : i32
    %dma_wait3A_128 = tpu.memref_slice %arg4[%add3A_113, %dma_wait3A_126, %dma_wait3A_127] : memref<4096x200x64xf32, #tpu.memory_space<hbm>> -> memref<1x200x64xf32, #tpu.memory_space<hbm>>
    %dma_wait3A_129 = tpu.memref_squeeze %dma_wait3A_128 : memref<1x200x64xf32, #tpu.memory_space<hbm>> -> memref<200x64xf32, #tpu.memory_space<hbm>>
    %dma_wait3A_130 = arith.constant 0 : i32
    %dma_wait3A_131 = arith.constant 0 : i32
    %dma_wait3A_132 = tpu.memref_slice %arg6[%dma_wait3A_114, %dma_wait3A_130, %dma_wait3A_131] : memref<6x200x64xf32, #tpu.memory_space<vmem>> -> memref<1x200x64xf32, #tpu.memory_space<vmem>>
    %dma_wait3A_133 = tpu.memref_squeeze %dma_wait3A_132 : memref<1x200x64xf32, #tpu.memory_space<vmem>> -> memref<200x64xf32, #tpu.memory_space<vmem>>
    tpu.wait_dma2 semaphore(%dma_wait3A_125 : memref<!tpu.dma_semaphore, #tpu.memory_space<semaphore_mem>>) src(%dma_wait3A_133 : memref<200x64xf32, #tpu.memory_space<vmem>>) dst(%dma_wait3A_129 : memref<200x64xf32, #tpu.memory_space<hbm>>)
    %add3A_134 = arith.constant 125 : i32
    %add3A_135 = arith.addi %mul3A_4, %add3A_134 : i32
    %dma_wait3A_136 = arith.constant 5 : i32
    %dma_wait3A_137 = arith.constant 5 : i32
    %dma_wait3A_138 = arith.constant 0 : i32
    %dma_wait3A_139 = arith.constant 0 : i32
    %dma_wait3A_140 = tpu.memref_slice %arg6[%dma_wait3A_136, %dma_wait3A_138, %dma_wait3A_139] : memref<6x200x64xf32, #tpu.memory_space<vmem>> -> memref<1x200x64xf32, #tpu.memory_space<vmem>>
    %dma_wait3A_141 = tpu.memref_squeeze %dma_wait3A_140 : memref<1x200x64xf32, #tpu.memory_space<vmem>> -> memref<200x64xf32, #tpu.memory_space<vmem>>
    %dma_wait3A_142 = arith.constant 0 : i32
    %dma_wait3A_143 = arith.constant 0 : i32
    %dma_wait3A_144 = tpu.memref_slice %arg4[%add3A_135, %dma_wait3A_142, %dma_wait3A_143] : memref<4096x200x64xf32, #tpu.memory_space<hbm>> -> memref<1x200x64xf32, #tpu.memory_space<hbm>>
    %dma_wait3A_145 = tpu.memref_squeeze %dma_wait3A_144 : memref<1x200x64xf32, #tpu.memory_space<hbm>> -> memref<200x64xf32, #tpu.memory_space<hbm>>
    %dma_wait3A_146 = tpu.memref_slice %arg8[%dma_wait3A_137] : memref<6x!tpu.dma_semaphore, #tpu.memory_space<semaphore_mem>> -> memref<1x!tpu.dma_semaphore, #tpu.memory_space<semaphore_mem>>
    %dma_wait3A_147 = tpu.memref_squeeze %dma_wait3A_146 : memref<1x!tpu.dma_semaphore, #tpu.memory_space<semaphore_mem>> -> memref<!tpu.dma_semaphore, #tpu.memory_space<semaphore_mem>>
    %dma_wait3A_148 = arith.constant 0 : i32
    %dma_wait3A_149 = arith.constant 0 : i32
    %dma_wait3A_150 = tpu.memref_slice %arg4[%add3A_135, %dma_wait3A_148, %dma_wait3A_149] : memref<4096x200x64xf32, #tpu.memory_space<hbm>> -> memref<1x200x64xf32, #tpu.memory_space<hbm>>
    %dma_wait3A_151 = tpu.memref_squeeze %dma_wait3A_150 : memref<1x200x64xf32, #tpu.memory_space<hbm>> -> memref<200x64xf32, #tpu.memory_space<hbm>>
    %dma_wait3A_152 = arith.constant 0 : i32
    %dma_wait3A_153 = arith.constant 0 : i32
    %dma_wait3A_154 = tpu.memref_slice %arg6[%dma_wait3A_136, %dma_wait3A_152, %dma_wait3A_153] : memref<6x200x64xf32, #tpu.memory_space<vmem>> -> memref<1x200x64xf32, #tpu.memory_space<vmem>>
    %dma_wait3A_155 = tpu.memref_squeeze %dma_wait3A_154 : memref<1x200x64xf32, #tpu.memory_space<vmem>> -> memref<200x64xf32, #tpu.memory_space<vmem>>
    tpu.wait_dma2 semaphore(%dma_wait3A_147 : memref<!tpu.dma_semaphore, #tpu.memory_space<semaphore_mem>>) src(%dma_wait3A_155 : memref<200x64xf32, #tpu.memory_space<vmem>>) dst(%dma_wait3A_151 : memref<200x64xf32, #tpu.memory_space<hbm>>)
    %add3A_156 = arith.constant 126 : i32
    %add3A_157 = arith.addi %mul3A_4, %add3A_156 : i32
    %dma_wait3A_158 = arith.constant 0 : i32
    %dma_wait3A_159 = arith.constant 0 : i32
    %dma_wait3A_160 = arith.constant 0 : i32
    %dma_wait3A_161 = arith.constant 0 : i32
    %dma_wait3A_162 = tpu.memref_slice %arg6[%dma_wait3A_158, %dma_wait3A_160, %dma_wait3A_161] : memref<6x200x64xf32, #tpu.memory_space<vmem>> -> memref<1x200x64xf32, #tpu.memory_space<vmem>>
    %dma_wait3A_163 = tpu.memref_squeeze %dma_wait3A_162 : memref<1x200x64xf32, #tpu.memory_space<vmem>> -> memref<200x64xf32, #tpu.memory_space<vmem>>
    %dma_wait3A_164 = arith.constant 0 : i32
    %dma_wait3A_165 = arith.constant 0 : i32
    %dma_wait3A_166 = tpu.memref_slice %arg4[%add3A_157, %dma_wait3A_164, %dma_wait3A_165] : memref<4096x200x64xf32, #tpu.memory_space<hbm>> -> memref<1x200x64xf32, #tpu.memory_space<hbm>>
    %dma_wait3A_167 = tpu.memref_squeeze %dma_wait3A_166 : memref<1x200x64xf32, #tpu.memory_space<hbm>> -> memref<200x64xf32, #tpu.memory_space<hbm>>
    %dma_wait3A_168 = tpu.memref_slice %arg8[%dma_wait3A_159] : memref<6x!tpu.dma_semaphore, #tpu.memory_space<semaphore_mem>> -> memref<1x!tpu.dma_semaphore, #tpu.memory_space<semaphore_mem>>
    %dma_wait3A_169 = tpu.memref_squeeze %dma_wait3A_168 : memref<1x!tpu.dma_semaphore, #tpu.memory_space<semaphore_mem>> -> memref<!tpu.dma_semaphore, #tpu.memory_space<semaphore_mem>>
    %dma_wait3A_170 = arith.constant 0 : i32
    %dma_wait3A_171 = arith.constant 0 : i32
    %dma_wait3A_172 = tpu.memref_slice %arg4[%add3A_157, %dma_wait3A_170, %dma_wait3A_171] : memref<4096x200x64xf32, #tpu.memory_space<hbm>> -> memref<1x200x64xf32, #tpu.memory_space<hbm>>
    %dma_wait3A_173 = tpu.memref_squeeze %dma_wait3A_172 : memref<1x200x64xf32, #tpu.memory_space<hbm>> -> memref<200x64xf32, #tpu.memory_space<hbm>>
    %dma_wait3A_174 = arith.constant 0 : i32
    %dma_wait3A_175 = arith.constant 0 : i32
    %dma_wait3A_176 = tpu.memref_slice %arg6[%dma_wait3A_158, %dma_wait3A_174, %dma_wait3A_175] : memref<6x200x64xf32, #tpu.memory_space<vmem>> -> memref<1x200x64xf32, #tpu.memory_space<vmem>>
    %dma_wait3A_177 = tpu.memref_squeeze %dma_wait3A_176 : memref<1x200x64xf32, #tpu.memory_space<vmem>> -> memref<200x64xf32, #tpu.memory_space<vmem>>
    tpu.wait_dma2 semaphore(%dma_wait3A_169 : memref<!tpu.dma_semaphore, #tpu.memory_space<semaphore_mem>>) src(%dma_wait3A_177 : memref<200x64xf32, #tpu.memory_space<vmem>>) dst(%dma_wait3A_173 : memref<200x64xf32, #tpu.memory_space<hbm>>)
    %add3A_178 = arith.constant 127 : i32
    %add3A_179 = arith.addi %mul3A_4, %add3A_178 : i32
    %dma_wait3A_180 = arith.constant 1 : i32
    %dma_wait3A_181 = arith.constant 1 : i32
    %dma_wait3A_182 = arith.constant 0 : i32
    %dma_wait3A_183 = arith.constant 0 : i32
    %dma_wait3A_184 = tpu.memref_slice %arg6[%dma_wait3A_180, %dma_wait3A_182, %dma_wait3A_183] : memref<6x200x64xf32, #tpu.memory_space<vmem>> -> memref<1x200x64xf32, #tpu.memory_space<vmem>>
    %dma_wait3A_185 = tpu.memref_squeeze %dma_wait3A_184 : memref<1x200x64xf32, #tpu.memory_space<vmem>> -> memref<200x64xf32, #tpu.memory_space<vmem>>
    %dma_wait3A_186 = arith.constant 0 : i32
    %dma_wait3A_187 = arith.constant 0 : i32
    %dma_wait3A_188 = tpu.memref_slice %arg4[%add3A_179, %dma_wait3A_186, %dma_wait3A_187] : memref<4096x200x64xf32, #tpu.memory_space<hbm>> -> memref<1x200x64xf32, #tpu.memory_space<hbm>>
    %dma_wait3A_189 = tpu.memref_squeeze %dma_wait3A_188 : memref<1x200x64xf32, #tpu.memory_space<hbm>> -> memref<200x64xf32, #tpu.memory_space<hbm>>
    %dma_wait3A_190 = tpu.memref_slice %arg8[%dma_wait3A_181] : memref<6x!tpu.dma_semaphore, #tpu.memory_space<semaphore_mem>> -> memref<1x!tpu.dma_semaphore, #tpu.memory_space<semaphore_mem>>
    %dma_wait3A_191 = tpu.memref_squeeze %dma_wait3A_190 : memref<1x!tpu.dma_semaphore, #tpu.memory_space<semaphore_mem>> -> memref<!tpu.dma_semaphore, #tpu.memory_space<semaphore_mem>>
    %dma_wait3A_192 = arith.constant 0 : i32
    %dma_wait3A_193 = arith.constant 0 : i32
    %dma_wait3A_194 = tpu.memref_slice %arg4[%add3A_179, %dma_wait3A_192, %dma_wait3A_193] : memref<4096x200x64xf32, #tpu.memory_space<hbm>> -> memref<1x200x64xf32, #tpu.memory_space<hbm>>
    %dma_wait3A_195 = tpu.memref_squeeze %dma_wait3A_194 : memref<1x200x64xf32, #tpu.memory_space<hbm>> -> memref<200x64xf32, #tpu.memory_space<hbm>>
    %dma_wait3A_196 = arith.constant 0 : i32
    %dma_wait3A_197 = arith.constant 0 : i32
    %dma_wait3A_198 = tpu.memref_slice %arg6[%dma_wait3A_180, %dma_wait3A_196, %dma_wait3A_197] : memref<6x200x64xf32, #tpu.memory_space<vmem>> -> memref<1x200x64xf32, #tpu.memory_space<vmem>>
    %dma_wait3A_199 = tpu.memref_squeeze %dma_wait3A_198 : memref<1x200x64xf32, #tpu.memory_space<vmem>> -> memref<200x64xf32, #tpu.memory_space<vmem>>
    tpu.wait_dma2 semaphore(%dma_wait3A_191 : memref<!tpu.dma_semaphore, #tpu.memory_space<semaphore_mem>>) src(%dma_wait3A_199 : memref<200x64xf32, #tpu.memory_space<vmem>>) dst(%dma_wait3A_195 : memref<200x64xf32, #tpu.memory_space<hbm>>)
    return
  }
}

</mosaic_0001>

<sc_bundles>
// kernel: kernel.3.cloned.1.call-start
scs
__scs_entry_jumppad:
0x0: {  	(pc) =	sbr.rel $0x88, $3  }
0x1: {  	(tag) =	ssettag $0x0;
	lr =	simm.s32 $0x1  }
0x2: {  	[smem:$0x3F9F] =	sst lr;
	_ =	strace $0xD0000000  }
0x3: {  	_ = 	snop  }
0x4: {  	_ = 	snop  }
0x5: {  	_ = 	snop  }
0x6: {  	_ = 	snop  }
0x7: {  	_ = 	snop  }
__scs_overlays_trampoline_lowered:
0x8: {  	[smem:$0x3FAE] =	sst s0  }
0x9: {  	[smem:$0x3FAF] =	sst s1  }
0xa: {  	[smem:$0x3FB0] =	sst s2  }
0xb: {  	[smem:$0x3FB1] =	sst s3  }
0xc: {  	[smem:$0x3FB2] =	sst s4  }
0xd: {  	[smem:$0x3FB3] =	sst s5  }
0xe: {  	[smem:$0x3FB4] =	sst s6  }
0xf: {  	[smem:$0x3FB5] =	sst s7  }
0x10: {  	[smem:$0x3FB6] =	sst s8  }
0x11: {  	[smem:$0x3FB7] =	sst s9;
	s0 =	simm.s32 @!p0 $0x0  }
0x12: {  	s1 =	sld [smem:$0x3F9D];
	s0 =	simm.s32 @p0 $0x1  }
0x13: {  	[smem:$0x3FB8] =	sst s0;
	s0 =	simm.s32 @!p1 $0x0  }
0x14: {  	s2 =	sld [smem:$0x3F9C];
	s0 =	simm.s32 @p1 $0x1  }
0x15: {  	[smem:$0x3FB9] =	sst s0;
	s0 =	simm.s32 @!p2 $0x0  }
0x16: {  	s3 =	sld [smem:$0x3FDB];
	s0 =	simm.s32 @p2 $0x1  }
0x17: {  	s4 =	simm.s32 $0x1BF5;
	[smem:$0x3FBB] =	sst s0  }
0x18: {  	s0 =	sld [smem:$0x3F9E];
	_ =	swait.ge [sflag:s4], $0x0  }
0x19: {  	s7 =	sld [smem:$0x3F9F]  }
0x1a: {  	s8 =	sadd.s32 $0xFFFFE003, lr  }
0x1b: {  	s9 =	sadd.s32 $0xFFFFFEF7, lr;
	s5 =	simm.s32 $0xFFFFFFFF;
	p2 =	slt.u32 s8, $0xFFFFF086  }
0x1c: {  	p1 =	slt.u32 s9, $0xF7A;
	s5 =	simm.s32 @!p2 $0x0  }
0x1d: {  	s5 =	simm.s32 @p1 $0x1;
	p0 =	seq.s32 s7, s2  }
0x1e: {  	s7 =	smul.u32 @!p0 $0xF7A, s2;
	p2 =	seq.s32 @!p0 s5, $0x0  }
0x1f: {  	s9 =	smul.u32 $0xF7A, s1;
	s8 =	simm.s32 @!p0 $0x1BF5;
	p2 =	por !p2, p0  }
0x20: {  	[sflag:s8] =	ssyncset.s32 @!p0 $0xFFFFF086;
	s6 =	sadd.s32 @!p0 s3, s7;
	s7 =	simm.s32 @!p0 $0x108  }
0x21: {  	s3 =	sadd.s32 s3, s9;
	s6 =	sadd.s32 @!p0 $0x88, s6;
	s7 =	simm.s32 @p2 $0x1082  }
0x22: {  	[simem:s7], [sflag:s8] =	dma.local @!p0 [hbm:s6], $0xF7A  }
0x23: {  	s9 =	sor.u32 $0xD0000000, s2;
	s6 =	simm.s32 $0x108;
	_ =	swait.ge @!p0 [sflag:s8], $0x0  }
0x24: {  	s3 =	sadd.s32 $0x88, s3;
	s6 =	simm.s32 @!p1 $0x1082;
	[sflag:s4] =	ssyncset.s32 $0xFFFFF086  }
0x25: {  	[simem:s6], [sflag:s4] =	dma.local [hbm:s3], $0xF7A  }
0x26: {  	[smem:$0x3F9F] =	sst s1;
	(tag) =	ssettag s2;
	_ =	strace s9  }
0x27: {  	s1 =	sld [smem:$0x3FAF]  }
0x28: {  	s2 =	sld [smem:$0x3FB0]  }
0x29: {  	s4 =	sld [smem:$0x3FB2]  }
0x2a: {  	p0 =	seq.s32 s5, $0x0;
	s5 =	sld [smem:$0x3FB3]  }
0x2b: {  	s6 =	sld [smem:$0x3FB4]  }
0x2c: {  	s7 =	sld [smem:$0x3FB5]  }
0x2d: {  	s3 =	simm.s32 $0x108;
	s8 =	sld [smem:$0x3FB6]  }
0x2e: {  	s3 =	simm.s32 @!p0 $0x1082;
	s9 =	sld [smem:$0x3FB7]  }
0x2f: {  	lr =	sadd.s32 s0, s3;
	s0 =	sld [smem:$0x3FAE]  }
0x30: {  	s3 =	sld [smem:$0x3FB1]  }
0x31: {  	[smem:$0x3FBA] =	sst s10  }
0x32: {  	s10 =	sld [smem:$0x3FB8];
	_ =	sdelay $0x3  }
0x33: {  	p0 =	seq.s32 s10, $0x1;
	s10 =	sld [smem:$0x3FBA];
	_ =	sdelay $0x3  }
0x34: {  	[smem:$0x3FBA] =	sst s10  }
0x35: {  	s10 =	sld [smem:$0x3FB9];
	_ =	sdelay $0x3  }
0x36: {  	p1 =	seq.s32 s10, $0x1;
	s10 =	sld [smem:$0x3FBA];
	_ =	sdelay $0x3  }
0x37: {  	[smem:$0x3FBA] =	sst s10  }
0x38: {  	s10 =	sld [smem:$0x3FBB]  }
0x39: {  	_ = 	snop;
	(pc) =	sbr.ind lr, $3  }
0x3a: {  	_ = 	snop  }
0x3b: {  	_ = 	snop  }
0x3c: {  	p2 =	seq.s32 s10, $0x1;
	s10 =	sld [smem:$0x3FBA]  }
0x3d: {  	_ =	shalt  }
0x3e: {  	_ =	shalt  }
0x3f: {  	_ =	shalt  }
0x40: {  	_ =	shalt  }
0x41: {  	_ =	shalt  }
0x42: {  	_ =	shalt  }
0x43: {  	_ =	shalt  }
0x44: {  	_ =	shalt  }
0x45: {  	_ =	shalt  }
0x46: {  	_ =	shalt  }
0x47: {  	_ =	shalt  }
0x48: {  	_ =	shalt  }
0x49: {  	_ =	shalt  }
0x4a: {  	_ =	shalt  }
0x4b: {  	_ =	shalt  }
0x4c: {  	_ =	shalt  }
0x4d: {  	_ =	shalt  }
0x4e: {  	_ =	shalt  }
0x4f: {  	_ =	shalt  }
0x50: {  	_ =	shalt  }
0x51: {  	_ =	shalt  }
0x52: {  	_ =	shalt  }
0x53: {  	_ =	shalt  }
0x54: {  	_ =	shalt  }
0x55: {  	_ =	shalt  }
0x56: {  	_ =	shalt  }
0x57: {  	_ =	shalt  }
0x58: {  	_ =	shalt  }
0x59: {  	_ =	shalt  }
0x5a: {  	_ =	shalt  }
0x5b: {  	_ =	shalt  }
0x5c: {  	_ =	shalt  }
0x5d: {  	_ =	shalt  }
0x5e: {  	_ =	shalt  }
0x5f: {  	_ =	shalt  }
0x60: {  	_ =	shalt  }
0x61: {  	_ =	shalt  }
0x62: {  	_ =	shalt  }
0x63: {  	_ =	shalt  }
0x64: {  	_ =	shalt  }
0x65: {  	_ =	shalt  }
0x66: {  	_ =	shalt  }
0x67: {  	_ =	shalt  }
0x68: {  	_ =	shalt  }
0x69: {  	_ =	shalt  }
0x6a: {  	_ =	shalt  }
0x6b: {  	_ =	shalt  }
0x6c: {  	_ =	shalt  }
0x6d: {  	_ =	shalt  }
0x6e: {  	_ =	shalt  }
0x6f: {  	_ =	shalt  }
0x70: {  	_ =	shalt  }
0x71: {  	_ =	shalt  }
0x72: {  	_ =	shalt  }
0x73: {  	_ =	shalt  }
0x74: {  	_ =	shalt  }
0x75: {  	_ =	shalt  }
0x76: {  	_ =	shalt  }
0x77: {  	_ =	shalt  }
0x78: {  	_ =	shalt  }
0x79: {  	_ =	shalt  }
0x7a: {  	_ =	shalt  }
0x7b: {  	_ =	shalt  }
0x7c: {  	_ =	shalt  }
0x7d: {  	_ =	shalt  }
0x7e: {  	_ =	shalt  }
0x7f: {  	_ =	shalt  }
0x80: {  	_ =	shalt  }
0x81: {  	_ =	shalt  }
0x82: {  	_ =	shalt  }
0x83: {  	_ =	shalt  }
0x84: {  	_ =	shalt  }
0x85: {  	_ =	shalt  }
0x86: {  	_ =	shalt  }
0x87: {  	_ =	shalt  }
.Lfunc_end0:
.L_simem_size_0:
called_computation.1_lowered:
.L_overlay_start_0:
0x88: {  	s2 =	sld [smem:$0x3FD9]  }
0x89: {  	s3 =	sld [smem:$0x3FFE];
	_ =	sdelay $0x1  }
0x8a: {  	s1 =	srdreg.scid  }
0x8b: {  	s0 =	sand.u32 $0x1, s1  }
0x8c: {  	s17 =	sshll.u32 s0, $0xA;
	s2 =	sadd.s32 s3, s2  }
0x8d: {  	s2 =	sadd.s32 s2, s17  }
0x8e: {  	[smem:$0x3FC6] =	sst s2  }
0x8f: {  	_ = 	snop  }
0x90: {  	s2 =	sld [smem:$0x3FD0];
	(tm) =	ssettm $0x1  }
0x91: {  	s18 =	sld [smem:$0x3FFB];
	_ =	sdelay $0x3  }
0x92: {  	_ =	strace s18  }
0x93: {  	s3 =	sld [smem:$0x3FFC];
	_ =	sdelay $0x3  }
0x94: {  	_ =	strace s3  }
0x95: {  	s3 =	sld [smem:$0x3FFD];
	_ =	sdelay $0x3  }
0x96: {  	_ =	strace s3  }
0x97: {  	_ =	strace $0x8FFFFFFF  }
0x98: {  	s19 =	sld [smem:$0x3FDB];
	_ =	sdelay $0x1  }
0x99: {  	s4 =	simm.s32 $_scs_section_size  }
0x9a: {  	s5 =	simm.s32 $_size__tile_overlayer_lowered;
	s6 =	simm.s32 $_tile_overlayer_lowered  }
0x9b: {  	s22 =	simm.s32 $0x1BFF;
	s21 =	sshll.u32 s6, $0x1;
	s3 =	sadd.s32 s4, s19  }
0x9c: {  	s7 =	simm.s32 $0x0;
	s20 =	sshll.u32 s5, $0x1;
	s5 =	sadd.s32 s21, s3  }
0x9d: {  	[timem:s7], [sflag:s22] =	dma.local [hbm:s5], s20  }
0x9e: {  	_ =	swait.ge [sflag:s22], s20  }
0x9f: {  	s4 =	ssub.s32 $0x0, s20;
	[sflag:s22] =	ssyncset.done $0x0  }
0xa0: {  	[sflag:s22] =	ssyncadd.s32 s4;
	_ =	sdelay $0x1  }
0xa1: {  	s23 =	simm.s32 $0x1B8B  }
0xa2: {  	_ =	swait.ge [sflag:s23], $0x1  }
0xa3: {  	[sflag:s23] =	ssyncset.done $0x0  }
0xa4: {  	s25 =	simm.s32 $0x1B8E;
	s24 =	sld [smem:$0x3FFE];
	[sflag:s23] =	ssyncadd.s32 $0xFFFFFFFF  }
0xa5: {  	s26 =	simm.s32 $execute0_lowered;
	[smem:$0x3FD2] =	sst s25  }
0xa6: {  	s5 =	sshll.u32 s26, $0x1;
	_ =	strace $0x80000046;
	[dreg:$0x1] =	wrdreg $0xFFFFFFFF  }
0xa7: {  	s28 =	simm.s32 $_size_execute0_lowered;
	s3 =	sadd.s32 s3, s5;
	[dreg:$0x0] =	wrdreg $0x0  }
0xa8: {  	s5 =	sshll.u32 s28, $0x1;
	[dreg:$0x2] =	wrdreg s3  }
0xa9: {  	[dreg:$0x3] =	wrdreg s5  }
0xaa: {  	[dreg:$0x4] =	wrdreg $0xC0  }
0xab: {  	_ =	task [dreg:s7], $0x5FFFF  }
0xac: {  	[dreg:$0x1] =	wrdreg $0xFFFFFFFF  }
0xad: {  	[dreg:$0x0] =	wrdreg $0x60  }
0xae: {  	[dreg:$0x2] =	wrdreg s24  }
0xaf: {  	[dreg:$0x3] =	wrdreg s2  }
0xb0: {  	[dreg:$0x4] =	wrdreg $0x9  }
0xb1: {  	_ =	task.clear_ibuf [dreg:s7], $0x5FFFF;
	_ =	strace $0x90000046  }
0xb2: {  	s29 =	simm.s32 $0x9;
	_ =	strace $0x80000048  }
0xb3: {  	_ =	swait.ge [sflag:s29], $0x1  }
0xb4: {  	[sflag:s29] =	ssyncadd.s32 $0xFFFFFFFF  }
0xb5: {  	_ =	strace $0x90000048  }
0xb6: {  	_ =	sfence  }
0xb7: {  	s30 =	sld [smem:$0x0];
	_ =	sdelay $0x2  }
0xb8: {  	s31 =	sshll.u32 s1, $0xD;
	s1 =	sshrl.u32 s1, $0x2  }
0xb9: {  	s3 =	sand.u32 $0x4000, s31;
	s1 =	sadd.s32 s1, s30  }
0xba: {  	s0 =	sor.u32 s3, s0;
	s1 =	sshll.u32 s1, $0x11  }
0xbb: {  	s0 =	sor.u32 s1, s0  }
0xbc: {  	s0 =	sadd.s32 $0x8F2B, s0  }
0xbd: {  	[sflag:s0] =	ssyncadd.remote.s32 $0x1  }
0xbe: {  	_ =	sfence.sel $0xFFFF  }
0xbf: {  	[dreg:$0x0] =	wrdreg $0xFFFFFFFF;
	(pc) =	sbr.abs _section_cstart, $3  }
0xc0: {  	[dreg:$0x1] =	wrdreg $0xFFFFFFFF  }
0xc1: {  	_ =	task.clear_ibuf [dreg:s7], $0x2FFFF;
	_ =	strace $0x9FFFFFFF  }
0xc2: {  	(tm) =	ssettm $0x7FFFFFFF  }
0xc3: {  	_ =	shalt  }
tec
execute0_lowered:
.L_overlay_start_1:
0x0: {  	(tag) =	ssettag $0x1  }
0x1: {  	s4 =	rddreg [dreg:$0x0];
	s1 =	srdreg.scid  }
0x2: {  	s0 =	stileid.u32;
	s2 =	rddreg [dreg:$0x1]  }
0x3: {  	s3 =	simm.s32 $0x0;
	s9 =	simm.s32 $0xC8;
	s10 =	simm.s32 $0x9600  }
0x4: {  	s11 =	simm.s32 $0x190;
	s12 =	simm.s32 $0xC800;
	s13 =	simm.s32 $0x258  }
0x5: {  	s14 =	simm.s32 $0xFA00;
	s15 =	simm.s32 $0x9;
	s16 =	simm.s32 $0xA  }
0x6: {  	s17 =	simm.s32 $0xB;
	s18 =	simm.s32 $0xC;
	s19 =	simm.s32 $0x7  }
0x7: {  	s20 =	simm.s32 $0x8;
	s5 =	sand.u32 $0x1, s1;
	s6 =	sshll.u32 s0, $0x1  }
0x8: {  	s21 =	simm.s32 $0x0;
	s1 =	rddreg [dreg:$0x2];
	s6 =	sor.u32 s5, s6  }
0x9: {  	[smem:$0x7FF] =	sst s3;
	s5 =	ssub.s32 $0x2, s5;
	s7 =	smul.u32 $0xC80, s6  }
0xa: {  	_ =	strace $0x80000047;
	s8 =	sshrl.u32 s5, $0x1;
	s6 =	sshll.u32 s6, $0x7  }
0xb: {  	s8 =	ssub.s32 s5, s8;
	s7 =	sadd.s32 s7, s4;
	s4 =	sadd.s32 $0xF42E00, s4  }
0xc: {  	s5 =	sadd.s32 $0xA00, s7;
	s7 =	smax.u32 s8, $0x1;
	s8 =	simm.s32 $0xD  }
.LBB2_1:
0xd: {  	[tilespmem:s3], [sflag:$0xD] =	stream.linear.gather [hbm4b:s5+s3], $0x6400, $0x38;
	[tilespmem:$0x19000] =	vst v63  }
0xe: {  	_ =	swait.ge [sflag:s8], $0x6400  }
0xf: {  	[sflag:s8] =	ssyncset.done $0x0  }
0x10: {  	s22 =	simm.s32 $0x6400;
	[sflag:s8] =	ssyncadd.s32 $0xFFFF9C00  }
0x11: {  	[tilespmem:s22], [sflag:$0x1] =	stream.indirect.gather [hbm4b:s4+s9], $0x40, s3, s9, $0xb8;
	[tilespmem:$0x19000] =	vst v63  }
0x12: {  	_ = 	snop  }
0x13: {  	[tilespmem:s10], [sflag:$0x2] =	stream.indirect.gather [hbm4b:s4+s9], $0x40, s9, s9, $0xb8;
	[tilespmem:$0x19000] =	vst v63  }
0x14: {  	_ = 	snop  }
0x15: {  	[tilespmem:s12], [sflag:$0x3] =	stream.indirect.gather [hbm4b:s4+s9], $0x40, s11, s9, $0xb8;
	[tilespmem:$0x19000] =	vst v63  }
0x16: {  	s23 =	simm.s32 $0x0  }
0x17: {  	[tilespmem:s14], [sflag:$0x4] =	stream.indirect.gather [hbm4b:s4+s9], $0x40, s13, s9, $0xb8;
	[tilespmem:$0x19000] =	vst v63  }
.LBB2_2:
0x18: {  	s24 =	smul.u32 $0xAB, s23;
	_ =	sdelay $0x1  }
0x19: {  	s25 =	sadd.s32 $0x2AC, s24  }
0x1a: {  	s25 =	sshrl.u32 s25, $0xA  }
0x1b: {  	s26 =	smulhi.u32 $0xAAAAAAAB, s23;
	s25 =	sand.u32 $0x3F, s25  }
0x1c: {  	p0 =	sgt.u32 s23, $0x7B;
	s24 =	sshrl.u32 s24, $0xA;
	s25 =	smul.u32 $0x6, s25  }
0x1d: {  	s28 =	sadd.s32 $0x4, s23;
	p1 =	slt.u32 @!p0 s23, $0x2;
	s24 =	sand.u32 $0x3F, s24  }
0x1e: {  	p1 =	por p1, p0;
	s24 =	smul.u32 $0x6, s24;
	s25 =	ssub.s32 s28, s25  }
0x1f: {  	s26 =	sshrl.u32 s26, $0x2;
	s28 =	smul.u32 @!p0 $0x320, s28;
	s25 =	sand.u32 $0xFF, s25  }
0x20: {  	s24 =	ssub.s32 s23, s24;
	s29 =	sadd.s32 @!p1 $0x7, s25;
	s30 =	smul.u32 @!p0 $0xC800, s25  }
0x21: {  	s24 =	sand.u32 $0xFF, s24;
	s28 =	sshra.s32 @!p0 s28, $0x2;
	_ =	swait.ge @!p1 [sflag:s29], $0x3200  }
0x22: {  	s25 =	sadd.s32 @!p0 $0x1, s25;
	[sflag:s29] =	ssyncset.done @!p1 $0x0;
	s30 =	sshrl.u32 @!p0 s30, $0x2  }
0x23: {  	[sflag:s29] =	ssyncadd.s32 @!p1 $0xFFFFCE00;
	s29 =	sadd.s32 @!p0 $0x6400, s30;
	s30 =	simm.s32 @!p0 $0xC8  }
0x24: {  	[tilespmem:s29], [sflag:s25] =	stream.indirect.gather @!p0 [hbm4b:s4+s30], $0x40, s28, s30, $0xb8;
	[tilespmem:$0x19000] =	vst v63  }
0x25: {  	s26 =	smul.u32 $0xFFFB5000, s26;
	s30 =	sadd.s32 $0x1, s24  }
0x26: {  	_ =	swait.ge [sflag:s30], $0x3200  }
0x27: {  	s25 =	sshra.s32 s26, $0x2;
	[sflag:s30] =	ssyncset.done $0x0  }
0x28: {  	s25 =	sadd.s32 s25, s22;
	[sflag:s30] =	ssyncadd.s32 $0xFFFFCE00  }
0x29: {  	v0 =	vld [tilespmem:s25+$0x1F0]  }
0x2a: {  	v1 =	vld [tilespmem:s25+$0x10]  }
0x2b: {  	v2 =	vld [tilespmem:s25+$0x20]  }
0x2c: {  	v3 =	vld [tilespmem:s25+$0x30]  }
0x2d: {  	v4 =	vld [tilespmem:s25+$0x40]  }
0x2e: {  	v5 =	vld [tilespmem:s25+$0x50];
	v0 =	vmul.f32 $8.000000000e+00, v0  }
0x2f: {  	v6 =	vld [tilespmem:s25+$0x60];
	v1 =	vmul.f32 $8.000000000e+00, v1  }
0x30: {  	v7 =	vld [tilespmem:s25+$0x70];
	v2 =	vmul.f32 $8.000000000e+00, v2;
	[tilespmem:s25+$0x1F0] =	vst v0  }
0x31: {  	[tilespmem:s25+$0x10] =	vst v1;
	v0 =	vmul.f32 $8.000000000e+00, v3;
	v1 =	vld [tilespmem:s25+$0x80]  }
0x32: {  	[tilespmem:s25+$0x20] =	vst v2;
	v2 =	vmul.f32 $8.000000000e+00, v4;
	v3 =	vld [tilespmem:s25+$0x90]  }
0x33: {  	v4 =	vld [tilespmem:s25+$0xA0];
	[tilespmem:s25+$0x30] =	vst v0;
	v0 =	vmul.f32 $8.000000000e+00, v5  }
0x34: {  	[tilespmem:s25+$0x40] =	vst v2;
	v2 =	vmul.f32 $8.000000000e+00, v6;
	v5 =	vld [tilespmem:s25+$0xB0]  }
0x35: {  	v6 =	vld [tilespmem:s25+$0xC0];
	[tilespmem:s25+$0x50] =	vst v0;
	v0 =	vmul.f32 $8.000000000e+00, v7  }
0x36: {  	[tilespmem:s25+$0x60] =	vst v2;
	v2 =	vld [tilespmem:s25+$0xD0];
	v1 =	vmul.f32 $8.000000000e+00, v1  }
0x37: {  	[tilespmem:s25+$0x70] =	vst v0;
	v0 =	vmul.f32 $8.000000000e+00, v3;
	v3 =	vld [tilespmem:s25+$0xE0]  }
0x38: {  	[tilespmem:s25+$0x80] =	vst v1;
	v1 =	vmul.f32 $8.000000000e+00, v4;
	v4 =	vld [tilespmem:s25+$0xF0]  }
0x39: {  	[tilespmem:s25+$0x90] =	vst v0;
	v0 =	vmul.f32 $8.000000000e+00, v5;
	v5 =	vld [tilespmem:s25+$0x100]  }
0x3a: {  	[tilespmem:s25+$0xA0] =	vst v1;
	v1 =	vmul.f32 $8.000000000e+00, v6;
	v6 =	vld [tilespmem:s25+$0x110]  }
0x3b: {  	[tilespmem:s25+$0xB0] =	vst v0;
	v0 =	vmul.f32 $8.000000000e+00, v2;
	v2 =	vld [tilespmem:s25+$0x120]  }
0x3c: {  	[tilespmem:s25+$0xC0] =	vst v1;
	v1 =	vmul.f32 $8.000000000e+00, v3;
	v3 =	vld [tilespmem:s25+$0x130]  }
0x3d: {  	[tilespmem:s25+$0xD0] =	vst v0;
	v0 =	vmul.f32 $8.000000000e+00, v4;
	v4 =	vld [tilespmem:s25+$0x140]  }
0x3e: {  	[tilespmem:s25+$0xE0] =	vst v1;
	v1 =	vmul.f32 $8.000000000e+00, v5;
	v5 =	vld [tilespmem:s25+$0x150]  }
0x3f: {  	[tilespmem:s25+$0xF0] =	vst v0;
	v0 =	vmul.f32 $8.000000000e+00, v6;
	v6 =	vld [tilespmem:s25+$0x160]  }
0x40: {  	[tilespmem:s25+$0x100] =	vst v1;
	v1 =	vmul.f32 $8.000000000e+00, v2;
	v2 =	vld [tilespmem:s25+$0x170]  }
0x41: {  	[tilespmem:s25+$0x110] =	vst v0;
	v0 =	vmul.f32 $8.000000000e+00, v3;
	v3 =	vld [tilespmem:s25+$0x180]  }
0x42: {  	[tilespmem:s25+$0x120] =	vst v1;
	v1 =	vmul.f32 $8.000000000e+00, v4;
	v4 =	vld [tilespmem:s25+$0x190]  }
0x43: {  	v7 =	vld [tilespmem:s25+$0x1A0];
	[tilespmem:s25+$0x130] =	vst v0;
	v5 =	vmul.f32 $8.000000000e+00, v5  }
0x44: {  	v0 =	vld [tilespmem:s25+$0x1B0];
	[tilespmem:s25+$0x140] =	vst v1;
	v6 =	vmul.f32 $8.000000000e+00, v6  }
0x45: {  	s31 =	smul.u32 $0xC800, s24;
	v1 =	vld [tilespmem:s25+$0x1C0];
	[tilespmem:s25+$0x150] =	vst v5;
	v5 =	vmul.f32 $8.000000000e+00, v2  }
0x46: {  	v2 =	vld [tilespmem:s25+$0x1D0];
	[tilespmem:s25+$0x160] =	vst v6;
	v6 =	vmul.f32 $8.000000000e+00, v3  }
0x47: {  	s26 =	sshrl.u32 s31, $0x2;
	v3 =	vld [tilespmem:s25+$0x1E0];
	[tilespmem:s25+$0x170] =	vst v5;
	v5 =	vmul.f32 $8.000000000e+00, v4  }
0x48: {  	s28 =	simm.s32 $0x0;
	s26 =	sadd.s32 $0x6400, s26;
	s29 =	sadd.s32 $0x200, s25;
	v4 =	vld [tilespmem:s25+$0x0];
	[tilespmem:s25+$0x180] =	vst v6;
	v6 =	vmul.f32 $8.000000000e+00, v7  }
.LBB2_3:
0x49: {  	v7 =	vld [tilespmem:s29+$0x1F0];
	s28 =	sadd.s32 $0x8, s28;
	[tilespmem:s25+$0x190] =	vst v5;
	v0 =	vmul.f32 $8.000000000e+00, v0  }
0x4a: {  	v5 =	vld [tilespmem:s29+$0x10];
	p0 =	slt.u32 s28, $0xC0;
	[tilespmem:s25+$0x1A0] =	vst v6;
	v1 =	vmul.f32 $8.000000000e+00, v1  }
0x4b: {  	v6 =	vld [tilespmem:s29+$0x20];
	[tilespmem:s25+$0x1B0] =	vst v0;
	v0 =	vmul.f32 $8.000000000e+00, v2  }
0x4c: {  	v2 =	vld [tilespmem:s29+$0x30];
	[tilespmem:s25+$0x1C0] =	vst v1;
	v1 =	vmul.f32 $8.000000000e+00, v3  }
0x4d: {  	v3 =	vld [tilespmem:s29+$0x40];
	v4 =	vmul.f32 $8.000000000e+00, v4;
	[tilespmem:s25+$0x1D0] =	vst v0  }
0x4e: {  	v0 =	vld [tilespmem:s29+$0x50];
	v7 =	vmul.f32 $8.000000000e+00, v7;
	[tilespmem:s25+$0x1E0] =	vst v1  }
0x4f: {  	v1 =	vmul.f32 $8.000000000e+00, v5;
	v5 =	vld [tilespmem:s29+$0x60];
	[tilespmem:s25+$0x0] =	vst v4;
	s25 =	smov.u32 s29  }
0x50: {  	v4 =	vmul.f32 $8.000000000e+00, v6;
	v6 =	vld [tilespmem:s29+$0x70];
	[tilespmem:s29+$0x1F0] =	vst v7  }
0x51: {  	[tilespmem:s29+$0x10] =	vst v1;
	v1 =	vmul.f32 $8.000000000e+00, v2;
	v2 =	vld [tilespmem:s29+$0x80]  }
0x52: {  	[tilespmem:s29+$0x20] =	vst v4;
	v3 =	vmul.f32 $8.000000000e+00, v3;
	v4 =	vld [tilespmem:s29+$0x90]  }
0x53: {  	[tilespmem:s29+$0x30] =	vst v1;
	v0 =	vmul.f32 $8.000000000e+00, v0;
	v1 =	vld [tilespmem:s29+$0xA0]  }
0x54: {  	[tilespmem:s29+$0x40] =	vst v3;
	v3 =	vmul.f32 $8.000000000e+00, v5;
	v5 =	vld [tilespmem:s29+$0xB0]  }
0x55: {  	[tilespmem:s29+$0x50] =	vst v0;
	v0 =	vmul.f32 $8.000000000e+00, v6;
	v6 =	vld [tilespmem:s29+$0xC0]  }
0x56: {  	[tilespmem:s29+$0x60] =	vst v3;
	v2 =	vmul.f32 $8.000000000e+00, v2;
	v3 =	vld [tilespmem:s29+$0xD0]  }
0x57: {  	[tilespmem:s29+$0x70] =	vst v0;
	v0 =	vmul.f32 $8.000000000e+00, v4;
	v4 =	vld [tilespmem:s29+$0xE0]  }
0x58: {  	[tilespmem:s29+$0x80] =	vst v2;
	v1 =	vmul.f32 $8.000000000e+00, v1;
	v2 =	vld [tilespmem:s29+$0xF0]  }
0x59: {  	[tilespmem:s29+$0x90] =	vst v0;
	v0 =	vmul.f32 $8.000000000e+00, v5;
	v5 =	vld [tilespmem:s29+$0x100]  }
0x5a: {  	[tilespmem:s29+$0xA0] =	vst v1;
	v1 =	vmul.f32 $8.000000000e+00, v6;
	v6 =	vld [tilespmem:s29+$0x110]  }
0x5b: {  	[tilespmem:s29+$0xB0] =	vst v0;
	v0 =	vmul.f32 $8.000000000e+00, v3;
	v3 =	vld [tilespmem:s29+$0x120]  }
0x5c: {  	[tilespmem:s29+$0xC0] =	vst v1;
	v1 =	vmul.f32 $8.000000000e+00, v4;
	v4 =	vld [tilespmem:s29+$0x130]  }
0x5d: {  	[tilespmem:s29+$0xD0] =	vst v0;
	v0 =	vmul.f32 $8.000000000e+00, v2;
	v2 =	vld [tilespmem:s29+$0x140]  }
0x5e: {  	[tilespmem:s29+$0xE0] =	vst v1;
	v1 =	vmul.f32 $8.000000000e+00, v5;
	v5 =	vld [tilespmem:s29+$0x150]  }
0x5f: {  	[tilespmem:s29+$0xF0] =	vst v0;
	v0 =	vmul.f32 $8.000000000e+00, v6;
	v6 =	vld [tilespmem:s29+$0x160]  }
0x60: {  	[tilespmem:s29+$0x100] =	vst v1;
	v1 =	vmul.f32 $8.000000000e+00, v3;
	v3 =	vld [tilespmem:s29+$0x170]  }
0x61: {  	[tilespmem:s29+$0x110] =	vst v0;
	v0 =	vmul.f32 $8.000000000e+00, v4;
	v4 =	vld [tilespmem:s29+$0x180]  }
0x62: {  	[tilespmem:s29+$0x120] =	vst v1;
	v1 =	vmul.f32 $8.000000000e+00, v2;
	v7 =	vld [tilespmem:s29+$0x190]  }
0x63: {  	[tilespmem:s29+$0x130] =	vst v0;
	v2 =	vmul.f32 $8.000000000e+00, v5;
	v8 =	vld [tilespmem:s29+$0x1A0]  }
.Ltmp0:
0x64: {  	[tilespmem:s29+$0x140] =	vst v1;
	v5 =	vmul.f32 $8.000000000e+00, v6;
	v0 =	vld [tilespmem:s29+$0x1B0];
	(pc) =	sbr.rel @p0 .LBB2_3-.Ltmp0, $4  }
0x65: {  	[tilespmem:s29+$0x150] =	vst v2;
	v3 =	vmul.f32 $8.000000000e+00, v3;
	v1 =	vld [tilespmem:s29+$0x1C0]  }
0x66: {  	[tilespmem:s29+$0x160] =	vst v5;
	v6 =	vmul.f32 $8.000000000e+00, v4;
	v2 =	vld [tilespmem:s29+$0x1D0]  }
0x67: {  	[tilespmem:s29+$0x170] =	vst v3;
	v5 =	vmul.f32 $8.000000000e+00, v7;
	v3 =	vld [tilespmem:s29+$0x1E0]  }
0x68: {  	s29 =	sadd.s32 $0x200, s29;
	v4 =	vld [tilespmem:s25+$0x0];
	[tilespmem:s25+$0x180] =	vst v6;
	v6 =	vmul.f32 $8.000000000e+00, v8  }
0x69: {  	[tilespmem:s25+$0x190] =	vst v5;
	v0 =	vmul.f32 $8.000000000e+00, v0  }
0x6a: {  	s28 =	sadd.s32 s6, s23;
	s23 =	sadd.s32 $0x1, s23;
	[tilespmem:s25+$0x1A0] =	vst v6;
	v1 =	vmul.f32 $8.000000000e+00, v1  }
0x6b: {  	p0 =	sne.s32 s23, $0x80;
	[tilespmem:s25+$0x1B0] =	vst v0;
	v61 =	vmul.f32 $8.000000000e+00, v2  }
.Ltmp1:
0x6c: {  	[tilespmem:s25+$0x1C0] =	vst v1;
	v62 =	vmul.f32 $8.000000000e+00, v3;
	(pc) =	sbr.rel @p0 .LBB2_2-.Ltmp1, $4  }
0x6d: {  	s28 =	smul.u32 $0x640, s28;
	v63 =	vmul.f32 $8.000000000e+00, v4;
	[tilespmem:s25+$0x1D0] =	vst v61  }
0x6e: {  	[tilespmem:s25+$0x1E0] =	vst v62  }
0x6f: {  	s24 =	sadd.s32 $0x7, s24;
	s22 =	sadd.s32 $0x3200, s22;
	s31 =	sadd.s32 s2, s28;
	[tilespmem:s25+$0x0] =	vst v63  }
0x70: {  	[hbm4b:s31+s3] =	stream.linear.scatter [tilespmem:s26], [sflag:s24], $0x3200, $0x38;
	[tilespmem:$0x19000] =	vst v63  }
0x71: {  	_ =	swait.ge [sflag:s15], $0x3200  }
0x72: {  	[sflag:s15] =	ssyncset.done $0x0  }
0x73: {  	[sflag:s15] =	ssyncadd.s32 $0xFFFFCE00  }
0x74: {  	_ =	swait.ge [sflag:s16], $0x3200  }
0x75: {  	[sflag:s16] =	ssyncset.done $0x0  }
0x76: {  	[sflag:s16] =	ssyncadd.s32 $0xFFFFCE00  }
0x77: {  	_ =	swait.ge [sflag:s17], $0x3200  }
0x78: {  	[sflag:s17] =	ssyncset.done $0x0  }
0x79: {  	[sflag:s17] =	ssyncadd.s32 $0xFFFFCE00  }
0x7a: {  	_ =	swait.ge [sflag:s18], $0x3200  }
0x7b: {  	[sflag:s18] =	ssyncset.done $0x0  }
0x7c: {  	s21 =	sadd.s32 $0x1, s21;
	[sflag:s18] =	ssyncadd.s32 $0xFFFFCE00  }
0x7d: {  	p0 =	sne.s32 s21, s7;
	_ =	swait.ge [sflag:s19], $0x3200  }
.Ltmp2:
0x7e: {  	[sflag:s19] =	ssyncset.done $0x0;
	(pc) =	sbr.rel @p0 .LBB2_1-.Ltmp2, $4  }
0x7f: {  	[sflag:s19] =	ssyncadd.s32 $0xFFFFCE00  }
0x80: {  	_ =	swait.ge [sflag:s20], $0x3200  }
0x81: {  	[sflag:s20] =	ssyncset.done $0x0  }
0x82: {  	[sflag:s20] =	ssyncadd.s32 $0xFFFFCE00  }
0x83: {  	_ =	sfence.sel $0x180000  }
0x84: {  	[bflag:$0x0] =	sbarrier.arrive $0xFFFF  }
0x85: {  	p0 =	sne.s32 s0, $0x0;
	_ =	strace $0x90000047  }
0x86: {  	s0 =	sadd.s32 @!p0 $0x100000, s1;
	[bflag:$0x2] =	sbarrier.arrive $0xFFFF  }
0x87: {  	[sflag:s0] =	ssyncadd.tile.s32 @!p0 $0x1;
	_ =	shalt  }
.Lfunc_end2:
_tile_overlayer_lowered:
.L_overlay_start_2:
0x88: {  	(tag) =	ssettag $0x2  }
0x89: {  	s0 =	rddreg [dreg:$0x0];
	s2 =	stileid.u32  }
0x8a: {  	s1 =	rddreg [dreg:$0x1];
	p0 =	sne.s32 s2, $0x0  }
0x8b: {  	s3 =	rddreg [dreg:$0x2];
	[bflag:$0x3] =	sbarrier.arrive $0xFFFF;
	s2 =	simm.s32 @!p0 $0x1C0D  }
0x8c: {  	[timem:s3], [sflag:s2] =	dma.local @!p0 [hbm:s0], s1  }
0x8d: {  	s0 =	simm.s32 @!p0 $0xD  }
0x8e: {  	_ =	swait.ge @!p0 [sflag:s0], s1  }
0x8f: {  	s1 =	ssub.s32 @!p0 $0x0, s1;
	[sflag:s0] =	ssyncset.done @!p0 $0x0  }
0x90: {  	[sflag:s0] =	ssyncadd.s32 @!p0 s1  }
0x91: {  	[bflag:$0x3] =	sbarrier.arrive $0xFFFF  }
0x92: {  	_ =	shalt  }

// kernel: sparse-core-data-format-call.cloned.1.call-start
scs
called_computation_lowered:
.L_overlay_start_0:
0x0: {  	s2 =	sld [smem:$0x3FD9]  }
0x1: {  	s3 =	sld [smem:$0x3FFE];
	_ =	sdelay $0x1  }
0x2: {  	s1 =	srdreg.scid  }
0x3: {  	s0 =	sand.u32 $0x1, s1  }
0x4: {  	s18 =	sshll.u32 s0, $0xA;
	s2 =	sadd.s32 s3, s2  }
0x5: {  	s2 =	sadd.s32 s2, s18  }
0x6: {  	[smem:$0x3FC6] =	sst s2  }
0x7: {  	_ = 	snop  }
0x8: {  	s2 =	sld [smem:$0x3FD0];
	(tm) =	ssettm $0x1  }
0x9: {  	s19 =	sld [smem:$0x3FFB];
	_ =	sdelay $0x3  }
0xa: {  	_ =	strace s19  }
0xb: {  	s3 =	sld [smem:$0x3FFC];
	_ =	sdelay $0x3  }
0xc: {  	_ =	strace s3  }
0xd: {  	s3 =	sld [smem:$0x3FFD];
	_ =	sdelay $0x3  }
0xe: {  	_ =	strace s3  }
0xf: {  	_ =	strace $0x8FFFFFFF  }
0x10: {  	s20 =	sld [smem:$0x3FDB];
	_ =	sdelay $0x1  }
0x11: {  	s4 =	simm.s32 $_scs_section_size  }
0x12: {  	s5 =	simm.s32 $_size__tile_overlayer_lowered;
	s6 =	simm.s32 $_tile_overlayer_lowered  }
0x13: {  	s23 =	simm.s32 $0x1BFF;
	s22 =	sshll.u32 s6, $0x1;
	s3 =	sadd.s32 s4, s20  }
0x14: {  	s7 =	simm.s32 $0x0;
	s21 =	sshll.u32 s5, $0x1;
	s5 =	sadd.s32 s22, s3  }
0x15: {  	[timem:s7], [sflag:s23] =	dma.local [hbm:s5], s21  }
0x16: {  	_ =	swait.ge [sflag:s23], s21  }
0x17: {  	s4 =	ssub.s32 $0x0, s21;
	[sflag:s23] =	ssyncset.done $0x0  }
0x18: {  	[sflag:s23] =	ssyncadd.s32 s4;
	_ =	sdelay $0x1  }
0x19: {  	s24 =	simm.s32 $0x1B8B  }
0x1a: {  	_ =	swait.ge [sflag:s24], $0x1  }
0x1b: {  	[sflag:s24] =	ssyncset.done $0x0  }
0x1c: {  	s26 =	simm.s32 $0x1B8E;
	s25 =	sld [smem:$0x3FFE];
	[sflag:s24] =	ssyncadd.s32 $0xFFFFFFFF  }
0x1d: {  	s27 =	simm.s32 $execute0_lowered;
	[smem:$0x3FD2] =	sst s26  }
0x1e: {  	s5 =	sshll.u32 s27, $0x1;
	_ =	strace $0x80000049;
	[dreg:$0x1] =	wrdreg $0xFFFFFFFF  }
0x1f: {  	s28 =	simm.s32 $_size_execute0_lowered;
	s3 =	sadd.s32 s3, s5;
	[dreg:$0x0] =	wrdreg $0x0  }
0x20: {  	s5 =	sshll.u32 s28, $0x1;
	[dreg:$0x2] =	wrdreg s3  }
0x21: {  	[dreg:$0x3] =	wrdreg s5  }
0x22: {  	[dreg:$0x4] =	wrdreg $0xC0  }
0x23: {  	_ =	task [dreg:s7], $0x5FFFF  }
0x24: {  	[dreg:$0x1] =	wrdreg $0xFFFFFFFF  }
0x25: {  	[dreg:$0x0] =	wrdreg $0x60  }
0x26: {  	[dreg:$0x2] =	wrdreg s25  }
0x27: {  	[dreg:$0x3] =	wrdreg s2  }
0x28: {  	[dreg:$0x4] =	wrdreg $0x9  }
0x29: {  	_ =	task.clear_ibuf [dreg:s7], $0x5FFFF;
	_ =	strace $0x90000049  }
0x2a: {  	s29 =	simm.s32 $0x9;
	_ =	strace $0x8000004B  }
0x2b: {  	_ =	swait.ge [sflag:s29], $0x1  }
0x2c: {  	[sflag:s29] =	ssyncadd.s32 $0xFFFFFFFF  }
0x2d: {  	_ =	strace $0x9000004B  }
0x2e: {  	_ =	sfence  }
0x2f: {  	s30 =	sld [smem:$0x0];
	_ =	sdelay $0x2  }
0x30: {  	s31 =	sshll.u32 s1, $0xD;
	s1 =	sshrl.u32 s1, $0x2  }
0x31: {  	s3 =	sand.u32 $0x4000, s31;
	s1 =	sadd.s32 s1, s30  }
0x32: {  	s0 =	sor.u32 s3, s0;
	s1 =	sshll.u32 s1, $0x11  }
0x33: {  	s0 =	sor.u32 s1, s0  }
0x34: {  	s0 =	sadd.s32 $0x8F2B, s0  }
0x35: {  	[sflag:s0] =	ssyncadd.remote.s32 $0x1  }
0x36: {  	_ =	sfence.sel $0xFFFF  }
0x37: {  	[dreg:$0x0] =	wrdreg $0xFFFFFFFF;
	(pc) =	sbr.abs _section_cstart, $3  }
0x38: {  	[dreg:$0x1] =	wrdreg $0xFFFFFFFF  }
0x39: {  	_ =	task.clear_ibuf [dreg:s7], $0x2FFFF;
	_ =	strace $0x9FFFFFFF  }
0x3a: {  	(tm) =	ssettm $0x7FFFFFFF  }
0x3b: {  	_ =	shalt  }
tec
execute0_lowered:
.L_overlay_start_1:
0x0: {  	(tag) =	ssettag $0x1  }
0x1: {  	s0 =	srdreg.scid  }
0x2: {  	s1 =	sshll.u32 s0, $0x4  }
0x3: {  	s0 =	stileid.u32;
	s1 =	sand.u32 $0x10, s1  }
0x4: {  	s1 =	sor.u32 s0, s1  }
0x5: {  	s6 =	rddreg [dreg:$0x0];
	s4 =	simm.s32 $0x1;
	s2 =	sshll.u32 s1, $0x7  }
0x6: {  	s7 =	simm.s32 $0x2;
	s12 =	simm.s32 $0x0;
	s1 =	ssub.s32 $0x1000, s2  }
0x7: {  	s8 =	simm.s32 $0x8000;
	s13 =	simm.s32 $0x0;
	s3 =	sand.u32 $0xF80, s1  }
0x8: {  	s9 =	simm.s32 $0x0;
	s5 =	sshrl.u32 s1, $0xC;
	p0 =	sne.s32 s3, $0x0  }
.Ltmp0:
0x9: {  	s1 =	rddreg [dreg:$0x2];
	s4 =	simm.s32 @!p0 $0x0;
	(pc) =	sbr.rel .LBB1_1-.Ltmp0, $4  }
0xa: {  	s11 =	simm.s32 $0x0;
	s3 =	rddreg [dreg:$0x1];
	s5 =	sadd.s32 s4, s5  }
0xb: {  	_ =	strace $0x8000004A;
	s4 =	simm.s32 $0x1;
	s5 =	smul.u32 $0xC8, s5  }
0xc: {  	s6 =	sadd.s32 $0xA00, s6;
	s10 =	smov.u32 s2;
	[sflag:s4] =	ssyncpa.u1 $0x0  }
0xd: {  	p0 =	por $0x0, $0x0;
	[sflag:s7] =	ssyncpa.u1 $0x0;
	s7 =	sor.u32 $0x1, s5  }
.LBB1_4:
0xe: {  	s16 =	sshll.u32 s13, $0x3;
	s17 =	sand.u32 $0x78, s13  }
0xf: {  	s30 =	sand.u32 $0x7E00, s13;
	s12 =	sshll.u32 s12, $0xF;
	s16 =	sand.u32 $0xC00, s16  }
0x10: {  	[tilespmem:s15+$0x810 ss:$0x81] =	vst.msk $0xffff, v2;
	s31 =	sand.u32 $0x7, s13;
	s16 =	sor.u32 s17, s16;
	s17 =	sadd.s32 s3, s30  }
0x11: {  	[tilespmem:s15+$0x1020 ss:$0x81] =	vst.msk $0xffff, v0;
	s13 =	sshll.u32 s31, $0x12;
	s12 =	sadd.s32 s12, s17;
	s16 =	sshrl.u32 s16, $0x3  }
0x12: {  	[tilespmem:s15+$0x0 ss:$0x81] =	vst.msk $0xffff, v1;
	s13 =	sor.u32 $0x400, s13;
	s12 =	sadd.s32 s16, s12  }
0x13: {  	[hbm4b:s12+s13] =	stream.strided.scatter [tilespmem:s14], [sflag:$0x2], $0x2000, s8, s13, $0x20;
	[tilespmem:$0x8080] =	vst v63  }
.LBB1_5:
0x14: {  	s14 =	sadd.s32 $0x1, s9  }
0x15: {  	s12 =	sadd.s32 $0x1000, s10;
	s16 =	smov.u32 s10;
	p2 =	sgt.s32 s14, $0xC7  }
0x16: {  	s16 =	smov.u32 @p2 s12  }
0x17: {  	s14 =	simm.s32 @p2 $0x0;
	p2 =	sgt.s32 s16, $0xFFF  }
0x18: {  	s16 =	smov.u32 @p2 s2;
	p2 =	sne.s32 s11, s7  }
.Ltmp1:
0x19: {  	p1 =	slt.u32 s11, $0x2;
	(pc) =	sbr.rel @!p2 .LBB1_6-.Ltmp1, $4  }
0x1a: {  	s15 =	simm.s32 @!p1 $0x2  }
0x1b: {  	s13 =	smov.u32 s10;
	p0 =	por !p0, !p0;
	_ =	swait.ge @!p1 [sflag:s15], $0x2000  }
0x1c: {  	s12 =	smov.u32 s9;
	[sflag:s15] =	ssyncset.done @!p1 $0x0;
	s9 =	smov.u32 s14  }
0x1d: {  	s11 =	sadd.s32 $0x1, s11;
	[sflag:s15] =	ssyncadd.s32 @!p1 $0xFFFFE000;
	s10 =	smov.u32 s16  }
.LBB1_1:
0x1e: {  	p1 =	sge.u32 s11, s5  }
0x1f: {  	s14 =	sand.u32 @!p1 $0x1FFFFFF, s9  }
0x20: {  	s15 =	smulhi.u32 @!p1 $0x147AE15, s14;
	_ =	sdelay $0x1  }
0x21: {  	s15 =	smul.u32 @!p1 $0xC8, s15  }
0x22: {  	s16 =	sxor.u32 @!p1 $0xFFFFFFFF, s11;
	s17 =	smul.u32 @!p1 $0xC80, s10  }
0x23: {  	s31 =	sadd.s32 $0xFFFFFFFF, s11;
	s16 =	sshll.u32 @!p1 s16, $0xD;
	s14 =	ssub.s32 @!p1 s14, s15  }
0x24: {  	s15 =	sand.u32 @!p1 $0x2000, s16;
	s16 =	sadd.s32 @!p1 s6, s17;
	s14 =	sshll.u32 @!p1 s14, $0x4  }
0x25: {  	s17 =	simm.s32 @!p1 $0x6400;
	s14 =	sadd.s32 @!p1 s14, s16;
	s16 =	simm.s32 @!p1 $0x40  }
0x26: {  	[tilespmem:s15], [sflag:$0x1] =	stream.strided.gather @!p1 [hbm4b:s14+s16], $0x2000, s17, s16, $0x38;
	[tilespmem:$0x8080] =	vst v63  }
0x27: {  	p1 =	sge.u32 s31, s5  }
.Ltmp2:
0x28: {  	_ = 	snop;
	(pc) =	sbr.rel @p1 .LBB1_5-.Ltmp2, $1  }
0x29: {  	_ =	sdelay $0x3  }
0x2a: {  	s14 =	simm.s32 $0x1  }
0x2b: {  	_ =	swait.ge [sflag:s4], $0x2000;
	s14 =	simm.s32 @!p0 $0x0  }
0x2c: {  	[sflag:s4] =	ssyncset.done $0x0;
	s15 =	sshll.u32 s14, $0xD  }
0x2d: {  	[sflag:s4] =	ssyncadd.s32 $0xFFFFE000;
	s18 =	sor.u32 $0x20, s15  }
0x2e: {  	s14 =	smul.u32 $0x8100, s14;
	v3 =	vld [tilespmem:s18+$0x10]  }
0x2f: {  	s30 =	sand.u32 $0x1, s11;
	v2 =	vld [tilespmem:s18+$0xFFFFFFF0]  }
0x30: {  	s15 =	smul.u32 $0x8100, s30;
	s14 =	sshrl.u32 s14, $0x2;
	v0 =	vld [tilespmem:s18+$0x0]  }
0x31: {  	v1 =	vld [tilespmem:s18+$0xFFFFFFE0];
	s16 =	sor.u32 $0x4000, s14  }
0x32: {  	s31 =	sshrl.u32 s15, $0x2;
	s15 =	sadd.s32 $0x0, s16  }
0x33: {  	s17 =	simm.s32 $0x4;
	s18 =	sadd.s32 $0x40, s18;
	s14 =	sor.u32 $0x4000, s31;
	[tilespmem:s15+$0x1830 ss:$0x81] =	vst.msk $0xffff, v3  }
.LBB1_3:
0x34: {  	v3 =	vld [tilespmem:s18+$0x10];
	p1 =	sne.s32 s17, $0x1FC;
	[tilespmem:s15+$0x810 ss:$0x81] =	vst.msk $0xffff, v2;
	s19 =	smov.u32 s17;
	s17 =	sadd.s32 $0x4, s17  }
.Ltmp3:
0x35: {  	v2 =	vld [tilespmem:s18+$0xFFFFFFF0];
	[tilespmem:s15+$0x1020 ss:$0x81] =	vst.msk $0xffff, v0;
	(pc) =	sbr.rel @p1 .LBB1_3-.Ltmp3, $4  }
0x36: {  	v0 =	vld [tilespmem:s18+$0x0];
	[tilespmem:s15+$0x0 ss:$0x81] =	vst.msk $0xffff, v1  }
0x37: {  	s15 =	sshra.s32 s19, $0x2;
	v1 =	vld [tilespmem:s18+$0xFFFFFFE0]  }
0x38: {  	s15 =	sadd.s32 s15, s16  }
0x39: {  	s18 =	sadd.s32 $0x40, s18;
	[tilespmem:s15+$0x1830 ss:$0x81] =	vst.msk $0xffff, v3  }
.Ltmp4:
0x3a: {  	_ = 	snop;
	(pc) =	sbr.rel .LBB1_4-.Ltmp4, $1  }
0x3b: {  	_ =	sdelay $0x3  }
.LBB1_6:
0x3c: {  	_ =	sfence.sel $0x180000  }
0x3d: {  	s2 =	simm.s32 $0x1;
	[bflag:$0x0] =	sbarrier.arrive $0xFFFF  }
0x3e: {  	s31 =	simm.s32 $0x2;
	[sflag:s2] =	ssyncpa.u1 $0x1  }
0x3f: {  	[sflag:s31] =	ssyncpa.u1 $0x1  }
0x40: {  	p0 =	sne.s32 s0, $0x0;
	_ =	strace $0x9000004A  }
0x41: {  	s0 =	sadd.s32 @!p0 $0x100000, s1;
	[bflag:$0x2] =	sbarrier.arrive $0xFFFF  }
0x42: {  	[sflag:s0] =	ssyncadd.tile.s32 @!p0 $0x1;
	_ =	shalt  }
.Lfunc_end1:
_tile_overlayer_lowered:
.L_overlay_start_2:
0x43: {  	(tag) =	ssettag $0x2  }
0x44: {  	s0 =	rddreg [dreg:$0x0];
	s2 =	stileid.u32  }
0x45: {  	s1 =	rddreg [dreg:$0x1];
	p0 =	sne.s32 s2, $0x0  }
0x46: {  	s3 =	rddreg [dreg:$0x2];
	[bflag:$0x3] =	sbarrier.arrive $0xFFFF;
	s2 =	simm.s32 @!p0 $0x1C01  }
0x47: {  	[timem:s3], [sflag:s2] =	dma.local @!p0 [hbm:s0], s1  }
0x48: {  	s0 =	simm.s32 @!p0 $0x1  }
0x49: {  	_ =	swait.ge @!p0 [sflag:s0], s1  }
0x4a: {  	s1 =	ssub.s32 @!p0 $0x0, s1;
	[sflag:s0] =	ssyncset.done @!p0 $0x0  }
0x4b: {  	[sflag:s0] =	ssyncadd.s32 @!p0 s1  }
0x4c: {  	[bflag:$0x3] =	sbarrier.arrive $0xFFFF  }
0x4d: {  	_ =	shalt  }

</sc_bundles>
